<compile_context>
chip_gen: v7x
topology: tpu7x:2x2x1
jax: 0.10.2.dev20260603
libtpu: 0.0.44.dev20260713+nightly
codegen_flags: <defaults>
</compile_context>

<pallas_src>
import jax
import jax.numpy as jnp
from jax.experimental import pallas as pl
from jax.experimental.pallas import tpu as pltpu

_CONF = 0.25
_IOU = 0.45
_NMS_N = 1000
_PAD_N = 1024
_DET = 300
_DET_PAD = 304
_MAX_WH = 4096.0
_PREP_BLK = 500
_IOU_BLK = 32


def _prep_kernel(x_ref, score_ref, cls_ref, box_ref):
    nblk = x_ref.shape[2] // _PREP_BLK

    def blk(bi, _):
        r = pl.ds(bi * _PREP_BLK, _PREP_BLK)
        xb = x_ref[0, 0, r, :]
        obj = xb[:, 4:5]
        cc = xb[:, 5:] * obj
        conf = jnp.max(cc, axis=1, keepdims=True)
        cio = jax.lax.broadcasted_iota(jnp.int32, cc.shape, 1).astype(jnp.float32)
        cls = jnp.min(jnp.where(cc == conf, cio, 1e9), axis=1, keepdims=True)
        sc = jnp.where(conf > _CONF, conf, -1.0)
        xy = xb[:, 0:2]
        wh = xb[:, 2:4]
        box = jnp.concatenate([xy - wh / 2.0, xy + wh / 2.0], axis=1)
        score_ref[0, r, :] = sc
        cls_ref[0, r, :] = cls
        box_ref[0, r, :] = box
        return 0

    jax.lax.fori_loop(0, nblk, blk, 0)


def _nms_kernel(data_ref, out_ref, a_ref, dts_ref):
    nimg = data_ref.shape[0]
    for chunk in range(_PAD_N // 128):
        rows = jax.lax.broadcasted_iota(jnp.int32, (_PAD_N, 128), 0)
        cols = jax.lax.broadcasted_iota(jnp.int32, (_PAD_N, 128), 1) + chunk * 128
        ic = (rows == cols).astype(jnp.float32)
        for g in range(nimg):
            dt_c = jax.lax.dot_general(
                data_ref[g], ic, (((0,), (0,)), ((), ())),
                preferred_element_type=jnp.float32)
            dts_ref[g, :, pl.ds(chunk * 128, 128)] = dt_c

    for g in range(nimg):
        dt = dts_ref[g]
        offr = dt[5:6, :] * _MAX_WH
        x1r = dt[0:1, :] + offr
        y1r = dt[1:2, :] + offr
        x2r = dt[2:3, :] + offr
        y2r = dt[3:4, :] + offr
        arear = (x2r - x1r) * (y2r - y1r)

        def iou_blk(bi, _):
            r = pl.ds(bi * _IOU_BLK, _IOU_BLK)
            db = data_ref[g, r, :]
            off = db[:, 5:6] * _MAX_WH
            x1 = db[:, 0:1] + off
            y1 = db[:, 1:2] + off
            x2 = db[:, 2:3] + off
            y2 = db[:, 3:4] + off
            area = (x2 - x1) * (y2 - y1)
            w = jnp.clip(jnp.minimum(x2, x2r) - jnp.maximum(x1, x1r), 0.0, None)
            h = jnp.clip(jnp.minimum(y2, y2r) - jnp.maximum(y1, y1r), 0.0, None)
            inter = w * h
            iou = inter / (area + arear - inter + 1e-9)
            rowio = jax.lax.broadcasted_iota(
                jnp.int32, (_IOU_BLK, _PAD_N), 0) + bi * _IOU_BLK
            colio = jax.lax.broadcasted_iota(
                jnp.int32, (_IOU_BLK, _PAD_N), 1)
            a_ref[r, g, :] = ((iou > _IOU) & (colio < rowio)).astype(jnp.float32)
            return 0

        jax.lax.fori_loop(0, _PAD_N // _IOU_BLK, iou_blk, 0)

    lane = jax.lax.broadcasted_iota(jnp.int32, (nimg, _PAD_N), 1)
    scr4 = jnp.concatenate([dts_ref[g, 4:5, :] for g in range(nimg)], axis=0)
    keep0 = (scr4 > _CONF).astype(jnp.float32)

    def body(i, keep):
        row = a_ref[pl.ds(i, 1)][0]
        masked = row * keep
        supp = jnp.sum(masked, axis=1, keepdims=True)
        flag = jnp.where(supp > 0.0, 0.0, 1.0)
        return jnp.where(lane == i, keep * flag, keep)

    keep = jax.lax.fori_loop(0, _NMS_N, body, keep0)

    inc = keep
    sh = 1
    while sh < _PAD_N:
        rolled = jnp.concatenate([inc[:, -sh:], inc[:, :-sh]], axis=1)
        inc = inc + jnp.where(lane >= sh, rolled, 0.0)
        sh *= 2
    pos = inc - keep

    half = _DET_PAD // 2
    srow = jax.lax.broadcasted_iota(jnp.int32, (half, 1), 0).astype(jnp.float32)
    for g in range(nimg):
        d = data_ref[g]
        pos_g = pos[g:g + 1, :]
        keep_g = keep[g:g + 1, :]
        for h in range(2):
            svals = srow + float(h * half)
            m = jnp.where((pos_g == svals) & (keep_g > 0.0), 1.0, 0.0)
            det = jnp.dot(m, d, preferred_element_type=jnp.float32)
            out_ref[g, pl.ds(h * half, half), :] = det


def kernel(x):
    _, nimg, n, _ = x.shape

    chunk = 2000
    score, cls, box = pl.pallas_call(
        _prep_kernel,
        grid=(nimg, n // chunk),
        in_specs=[pl.BlockSpec((1, 1, chunk, 85), lambda b, c: (0, b, c, 0))],
        out_specs=[
            pl.BlockSpec((1, chunk, 1), lambda b, c: (b, c, 0)),
            pl.BlockSpec((1, chunk, 1), lambda b, c: (b, c, 0)),
            pl.BlockSpec((1, chunk, 4), lambda b, c: (b, c, 0)),
        ],
        out_shape=[
            jax.ShapeDtypeStruct((nimg, n, 1), jnp.float32),
            jax.ShapeDtypeStruct((nimg, n, 1), jnp.float32),
            jax.ShapeDtypeStruct((nimg, n, 4), jnp.float32),
        ],
    )(x)

    scores = score[..., 0]
    sc_top, idx = jax.lax.top_k(scores, _NMS_N)
    b = jnp.take_along_axis(box, idx[..., None], axis=1)
    c = jnp.take_along_axis(cls[..., 0], idx, axis=1)
    data = jnp.concatenate(
        [b, sc_top[..., None], c[..., None],
         jnp.zeros((nimg, _NMS_N, 2), jnp.float32)], axis=-1)
    data = jnp.pad(data, ((0, 0), (0, _PAD_N - _NMS_N), (0, 0)))

    out = pl.pallas_call(
        _nms_kernel,
        out_shape=jax.ShapeDtypeStruct((nimg, _DET_PAD, 8), jnp.float32),
        scratch_shapes=[
            pltpu.VMEM((_PAD_N, nimg, _PAD_N), jnp.float32),
            pltpu.VMEM((nimg, 8, _PAD_N), jnp.float32),
        ],
    )(data)

    return out[:, :_DET, :6]

# --- scband reference (transcript-rebuilt; emitter-appended) ---
"""Pipeline reference for scband-nms-export-15728170238048 (READ-ONLY COPY).

The authoritative reference and input builder live on the scoring server;
editing this copy changes nothing except your own understanding.
"""

import jax, jax.numpy as jnp
import numpy as np

CONF_THRES = 0.25
IOU_THRES = 0.45
MAX_NMS = 1000
MAX_DET = 300
MAX_WH = 4096.0


def xywh2xyxy(x):
    xy = x[..., :2]
    wh = x[..., 2:4]
    return jnp.concatenate([xy - wh / 2.0, xy + wh / 2.0], axis=-1)


def box_iou(b1, b2):
    area1 = (b1[:, 2] - b1[:, 0]) * (b1[:, 3] - b1[:, 1])
    area2 = (b2[:, 2] - b2[:, 0]) * (b2[:, 3] - b2[:, 1])
    lt = jnp.maximum(b1[:, None, :2], b2[None, :, :2])
    rb = jnp.minimum(b1[:, None, 2:4], b2[None, :, 2:4])
    wh = jnp.clip(rb - lt, 0.0, None)
    inter = wh[..., 0] * wh[..., 1]
    return inter / (area1[:, None] + area2[None, :] - inter + 1e-9)


def _nms_image(box_i, scores_i, cls_i):
    # pre-NMS top-k by confidence (export-friendly, fixed shapes)
    sc, idx = jax.lax.top_k(scores_i, MAX_NMS)
    b = box_i[idx]
    c = cls_i[idx]
    # per-class offset trick so NMS is done per class
    ob = b + c[:, None] * MAX_WH
    iou = box_iou(ob, ob)
    n = MAX_NMS
    keep0 = sc > CONF_THRES

    def body(i, keep):
        mask = (jnp.arange(n) < i) & keep & (iou[:, i] > IOU_THRES)
        return keep.at[i].set(keep[i] & jnp.logical_not(jnp.any(mask)))

    keep = jax.lax.fori_loop(0, n, body, keep0)
    # stable argsort: kept boxes first, already in descending score order
    sel = jnp.argsort(jnp.logical_not(keep))[:MAX_DET]
    ok = keep[sel][:, None]
    det = jnp.concatenate([b[sel], sc[sel][:, None], c[sel][:, None]], axis=1)
    return jnp.where(ok, det, 0.0)


def _forward(x):
    pred = x[0]  # [B, N, 5+nc]
    box = xywh2xyxy(pred[..., :4])
    obj = pred[..., 4:5]
    cls_conf = pred[..., 5:] * obj  # conf = obj_conf * cls_conf
    conf = jnp.max(cls_conf, axis=-1)
    cls_id = jnp.argmax(cls_conf, axis=-1).astype(jnp.float32)
    scores = jnp.where(conf > CONF_THRES, conf, -1.0)
    return jax.vmap(_nms_image)(box, scores, cls_id)


def setup_inputs(seed: int = 0):
    key = jax.random.key(seed)
    x = jax.random.uniform(key, (1, 4, 20000, 85), dtype=jnp.float32)
    return {"x": x}


def reference(x):
    return _forward(x)

if __name__ == "__main__":
    import jax
    _d = setup_inputs()
    print(jax.jit(kernel)(*tuple(_d.values())))

</pallas_src>

<mosaic_0001>
module attributes {stable_mosaic.version = 14 : i64} {
  func.func @_prep_kernel(%arg0: i32, %arg1: i32, %arg2: memref<1x1x2000x85xf32, #tpu.memory_space<vmem>>, %arg3: memref<1x2000x1xf32, #tpu.memory_space<vmem>>, %arg4: memref<1x2000x1xf32, #tpu.memory_space<vmem>>, %arg5: memref<1x2000x4xf32, #tpu.memory_space<vmem>>) attributes {dimension_semantics = [#tpu.dimension_semantics<arbitrary>, #tpu.dimension_semantics<arbitrary>], iteration_bounds = array<i64: 4, 10>, scalar_prefetch = 0 : i64, scratch_operands = 0 : i64, tpu.core_type = #tpu.core_type<tc>, window_params = [{transform_indices = @transform_0, window_bounds = array<i64: 1, 1, 2000, 85>}, {transform_indices = @transform_1, window_bounds = array<i64: 1, 2000, 1>}, {transform_indices = @transform_2, window_bounds = array<i64: 1, 2000, 1>}, {transform_indices = @transform_3, window_bounds = array<i64: 1, 2000, 4>}]} {
    %scan3A = arith.constant 0 : i32
    %scan3A_0 = arith.constant 4 : i32
    %scan3A_1 = arith.addi %scan3A, %scan3A_0 : i32
    %scan3A_2 = arith.constant 1 : i32
    scf.for %scan3A_4 = %scan3A to %scan3A_1 step %scan3A_2  : i32 {
      %mul3A = arith.constant 500 : i32
      %mul3A_5 = arith.muli %scan3A_4, %mul3A : i32
      %get3A = arith.constant 0 : index
      %get3A_6 = arith.constant 0 : index
      %get3A_7 = arith.index_cast %mul3A_5 : i32 to index
      %get3A_8 = arith.constant 0 : index
      %get3A_9 = vector.load %arg2[%get3A, %get3A_6, %get3A_7, %get3A_8] : memref<1x1x2000x85xf32, #tpu.memory_space<vmem>>, vector<1x1x500x85xf32>
      %get3A_10 = vector.shape_cast %get3A_9 : vector<1x1x500x85xf32> to vector<500x85xf32>
      %slice3A = vector.extract_strided_slice %get3A_10 {offsets = [0, 4], sizes = [500, 1], strides = [1, 1]} : vector<500x85xf32> to vector<500x1xf32>
      %slice3A_11 = vector.extract_strided_slice %get3A_10 {offsets = [0, 5], sizes = [500, 80], strides = [1, 1]} : vector<500x85xf32> to vector<500x80xf32>
      %mul3A_12 = vector.broadcast %slice3A : vector<500x1xf32> to vector<500x80xf32>
      %mul3A_13 = arith.mulf %slice3A_11, %mul3A_12 : vector<500x80xf32>
      %reduce_max3A = arith.constant dense<0xFF800000> : vector<500xf32>
      %reduce_max3A_14 = vector.multi_reduction <maximumf>, %mul3A_13, %reduce_max3A [1] : vector<500x80xf32> to vector<500xf32>
      %broadcast_in_dim3A = vector.shape_cast %reduce_max3A_14 : vector<500xf32> to vector<500x1xf32>
      %iota3A = tpu.iota {dimensions = array<i32: 1>} : vector<500x80xi32>
      %convert_element_type3A = arith.sitofp %iota3A : vector<500x80xi32> to vector<500x80xf32>
      %eq3A = vector.broadcast %broadcast_in_dim3A : vector<500x1xf32> to vector<500x80xf32>
      %eq3A_15 = arith.cmpf oeq, %mul3A_13, %eq3A : vector<500x80xf32>
      %jit3A = arith.constant 1.000000e+09 : f32
      %broadcast_in_dim3A_16 = vector.broadcast %jit3A : f32 to vector<500x80xf32>
      %select_n3A = arith.select %eq3A_15, %convert_element_type3A, %broadcast_in_dim3A_16 : vector<500x80xi1>, vector<500x80xf32>
      %reduce_min3A = arith.constant dense<0x7F800000> : vector<500xf32>
      %reduce_min3A_17 = vector.multi_reduction <minimumf>, %select_n3A, %reduce_min3A [1] : vector<500x80xf32> to vector<500xf32>
      %broadcast_in_dim3A_18 = vector.shape_cast %reduce_min3A_17 : vector<500xf32> to vector<500x1xf32>
      %gt3A = arith.constant 2.500000e-01 : f32
      %gt3A_19 = vector.broadcast %gt3A : f32 to vector<500x1xf32>
      %gt3A_20 = arith.cmpf ogt, %broadcast_in_dim3A, %gt3A_19 : vector<500x1xf32>
      %jit3A_21 = arith.constant -1.000000e+00 : f32
      %broadcast_in_dim3A_22 = vector.broadcast %jit3A_21 : f32 to vector<500x1xf32>
      %select_n3A_23 = arith.select %gt3A_20, %broadcast_in_dim3A, %broadcast_in_dim3A_22 : vector<500x1xi1>, vector<500x1xf32>
      %slice3A_24 = vector.extract_strided_slice %get3A_10 {offsets = [0, 0], sizes = [500, 2], strides = [1, 1]} : vector<500x85xf32> to vector<500x2xf32>
      %slice3A_25 = vector.extract_strided_slice %get3A_10 {offsets = [0, 2], sizes = [500, 2], strides = [1, 1]} : vector<500x85xf32> to vector<500x2xf32>
      %div3A = arith.constant 2.000000e+00 : f32
      %div3A_26 = vector.broadcast %div3A : f32 to vector<500x2xf32>
      %div3A_27 = arith.divf %slice3A_25, %div3A_26 : vector<500x2xf32>
      %sub3A = arith.subf %slice3A_24, %div3A_27 : vector<500x2xf32>
      %div3A_28 = arith.constant 2.000000e+00 : f32
      %div3A_29 = vector.broadcast %div3A_28 : f32 to vector<500x2xf32>
      %div3A_30 = arith.divf %slice3A_25, %div3A_29 : vector<500x2xf32>
      %add3A = arith.addf %slice3A_24, %div3A_30 : vector<500x2xf32>
      %concatenate3A = tpu.concatenate %sub3A, %add3A in 1 : vector<500x2xf32>, vector<500x2xf32> -> vector<500x4xf32>
      %swap3A = arith.constant 0 : index
      %swap3A_31 = arith.index_cast %mul3A_5 : i32 to index
      %swap3A_32 = arith.constant 0 : index
      %swap3A_33 = vector.load %arg3[%swap3A, %swap3A_31, %swap3A_32] : memref<1x2000x1xf32, #tpu.memory_space<vmem>>, vector<1x500x1xf32>
      %swap3A_34 = vector.shape_cast %swap3A_33 : vector<1x500x1xf32> to vector<500x1xf32>
      %swap3A_35 = vector.shape_cast %select_n3A_23 : vector<500x1xf32> to vector<1x500x1xf32>
      tpu.vector_store %arg3[%swap3A, %swap3A_31, %swap3A_32], %swap3A_35 {strides = array<i32>} : memref<1x2000x1xf32, #tpu.memory_space<vmem>>, vector<1x500x1xf32>,
      %swap3A_36 = arith.constant 0 : index
      %swap3A_37 = arith.index_cast %mul3A_5 : i32 to index
      %swap3A_38 = arith.constant 0 : index
      %swap3A_39 = vector.load %arg4[%swap3A_36, %swap3A_37, %swap3A_38] : memref<1x2000x1xf32, #tpu.memory_space<vmem>>, vector<1x500x1xf32>
      %swap3A_40 = vector.shape_cast %swap3A_39 : vector<1x500x1xf32> to vector<500x1xf32>
      %swap3A_41 = vector.shape_cast %broadcast_in_dim3A_18 : vector<500x1xf32> to vector<1x500x1xf32>
      tpu.vector_store %arg4[%swap3A_36, %swap3A_37, %swap3A_38], %swap3A_41 {strides = array<i32>} : memref<1x2000x1xf32, #tpu.memory_space<vmem>>, vector<1x500x1xf32>,
      %swap3A_42 = arith.constant 0 : index
      %swap3A_43 = arith.index_cast %mul3A_5 : i32 to index
      %swap3A_44 = arith.constant 0 : index
      %swap3A_45 = vector.load %arg5[%swap3A_42, %swap3A_43, %swap3A_44] : memref<1x2000x4xf32, #tpu.memory_space<vmem>>, vector<1x500x4xf32>
      %swap3A_46 = vector.shape_cast %swap3A_45 : vector<1x500x4xf32> to vector<500x4xf32>
      %swap3A_47 = vector.shape_cast %concatenate3A : vector<500x4xf32> to vector<1x500x4xf32>
      tpu.vector_store %arg5[%swap3A_42, %swap3A_43, %swap3A_44], %swap3A_47 {strides = array<i32>} : memref<1x2000x4xf32, #tpu.memory_space<vmem>>, vector<1x500x4xf32>,
    }
    %scan3A_3 = arith.constant 4 : i32
    return
  }
  func.func @transform_0(%arg0: i32, %arg1: i32) -> (i32, i32, i32, i32) {
    %c0_i32 = arith.constant 0 : i32
    %c0_i32_0 = arith.constant 0 : i32
    %c0_i32_1 = arith.constant 0 : i32
    return %c0_i32, %arg0, %arg1, %c0_i32_0 : i32, i32, i32, i32
  }
  func.func @transform_1(%arg0: i32, %arg1: i32) -> (i32, i32, i32) {
    %c0_i32 = arith.constant 0 : i32
    %c0_i32_0 = arith.constant 0 : i32
    return %arg0, %arg1, %c0_i32 : i32, i32, i32
  }
  func.func @transform_2(%arg0: i32, %arg1: i32) -> (i32, i32, i32) {
    %c0_i32 = arith.constant 0 : i32
    %c0_i32_0 = arith.constant 0 : i32
    return %arg0, %arg1, %c0_i32 : i32, i32, i32
  }
  func.func @transform_3(%arg0: i32, %arg1: i32) -> (i32, i32, i32) {
    %c0_i32 = arith.constant 0 : i32
    %c0_i32_0 = arith.constant 0 : i32
    return %arg0, %arg1, %c0_i32 : i32, i32, i32
  }
}

module attributes {stable_mosaic.version = 14 : i64} {
  func.func @_nms_kernel(%arg0: memref<4x1024x8xf32, #tpu.memory_space<vmem>>, %arg1: memref<4x304x8xf32, #tpu.memory_space<vmem>>, %arg2: memref<1024x4x1024xf32, #tpu.memory_space<vmem>>, %arg3: memref<4x8x1024xf32, #tpu.memory_space<vmem>>) attributes {dimension_semantics = [], scalar_prefetch = 0 : i64, scratch_operands = 2 : i64, tpu.core_type = #tpu.core_type<tc>} {
    %iota3A = tpu.iota {dimensions = array<i32: 0>} : vector<1024x128xi32>
    %iota3A_0 = tpu.iota {dimensions = array<i32: 1>} : vector<1024x128xi32>
    %add3A = arith.constant 0 : i32
    %add3A_1 = vector.broadcast %add3A : i32 to vector<1024x128xi32>
    %add3A_2 = arith.addi %iota3A_0, %add3A_1 : vector<1024x128xi32>
    %eq3A = arith.cmpi eq, %iota3A, %add3A_2 : vector<1024x128xi32>
    %convert_element_type3A = arith.extui %eq3A : vector<1024x128xi1> to vector<1024x128xi32>
    %convert_element_type3A_3 = arith.sitofp %convert_element_type3A : vector<1024x128xi32> to vector<1024x128xf32>
    %get3A = arith.constant 0 : index
    %get3A_4 = arith.constant 0 : index
    %get3A_5 = arith.constant 0 : index
    %get3A_6 = vector.load %arg0[%get3A, %get3A_4, %get3A_5] : memref<4x1024x8xf32, #tpu.memory_space<vmem>>, vector<1x1024x8xf32>
    %get3A_7 = vector.shape_cast %get3A_6 : vector<1x1024x8xf32> to vector<1024x8xf32>
    %dot_general3A = arith.constant dense<0.000000e+00> : vector<8x128xf32>
    %dot_general3A_8 = tpu.matmul %get3A_7, %convert_element_type3A_3, %dot_general3A {dimension_numbers = #tpu.dot_dimension_numbers<[0], [0], [1], [1], [0, 1, 1, 1], [], []>, transpose_lhs_hint = false} : vector<1024x8xf32>, vector<1024x128xf32>, vector<8x128xf32> -> vector<8x128xf32>
    %swap3A = arith.constant 0 : index
    %swap3A_9 = arith.constant 0 : index
    %swap3A_10 = arith.constant 0 : index
    %swap3A_11 = vector.load %arg3[%swap3A, %swap3A_9, %swap3A_10] : memref<4x8x1024xf32, #tpu.memory_space<vmem>>, vector<1x8x128xf32>
    %swap3A_12 = vector.shape_cast %swap3A_11 : vector<1x8x128xf32> to vector<8x128xf32>
    %swap3A_13 = vector.shape_cast %dot_general3A_8 : vector<8x128xf32> to vector<1x8x128xf32>
    tpu.vector_store %arg3[%swap3A, %swap3A_9, %swap3A_10], %swap3A_13 {strides = array<i32>} : memref<4x8x1024xf32, #tpu.memory_space<vmem>>, vector<1x8x128xf32>,
    %get3A_14 = arith.constant 1 : index
    %get3A_15 = arith.constant 0 : index
    %get3A_16 = arith.constant 0 : index
    %get3A_17 = vector.load %arg0[%get3A_14, %get3A_15, %get3A_16] : memref<4x1024x8xf32, #tpu.memory_space<vmem>>, vector<1x1024x8xf32>
    %get3A_18 = vector.shape_cast %get3A_17 : vector<1x1024x8xf32> to vector<1024x8xf32>
    %dot_general3A_19 = arith.constant dense<0.000000e+00> : vector<8x128xf32>
    %dot_general3A_20 = tpu.matmul %get3A_18, %convert_element_type3A_3, %dot_general3A_19 {dimension_numbers = #tpu.dot_dimension_numbers<[0], [0], [1], [1], [0, 1, 1, 1], [], []>, transpose_lhs_hint = false} : vector<1024x8xf32>, vector<1024x128xf32>, vector<8x128xf32> -> vector<8x128xf32>
    %swap3A_21 = arith.constant 1 : index
    %swap3A_22 = arith.constant 0 : index
    %swap3A_23 = arith.constant 0 : index
    %swap3A_24 = vector.load %arg3[%swap3A_21, %swap3A_22, %swap3A_23] : memref<4x8x1024xf32, #tpu.memory_space<vmem>>, vector<1x8x128xf32>
    %swap3A_25 = vector.shape_cast %swap3A_24 : vector<1x8x128xf32> to vector<8x128xf32>
    %swap3A_26 = vector.shape_cast %dot_general3A_20 : vector<8x128xf32> to vector<1x8x128xf32>
    tpu.vector_store %arg3[%swap3A_21, %swap3A_22, %swap3A_23], %swap3A_26 {strides = array<i32>} : memref<4x8x1024xf32, #tpu.memory_space<vmem>>, vector<1x8x128xf32>,
    %get3A_27 = arith.constant 2 : index
    %get3A_28 = arith.constant 0 : index
    %get3A_29 = arith.constant 0 : index
    %get3A_30 = vector.load %arg0[%get3A_27, %get3A_28, %get3A_29] : memref<4x1024x8xf32, #tpu.memory_space<vmem>>, vector<1x1024x8xf32>
    %get3A_31 = vector.shape_cast %get3A_30 : vector<1x1024x8xf32> to vector<1024x8xf32>
    %dot_general3A_32 = arith.constant dense<0.000000e+00> : vector<8x128xf32>
    %dot_general3A_33 = tpu.matmul %get3A_31, %convert_element_type3A_3, %dot_general3A_32 {dimension_numbers = #tpu.dot_dimension_numbers<[0], [0], [1], [1], [0, 1, 1, 1], [], []>, transpose_lhs_hint = false} : vector<1024x8xf32>, vector<1024x128xf32>, vector<8x128xf32> -> vector<8x128xf32>
    %swap3A_34 = arith.constant 2 : index
    %swap3A_35 = arith.constant 0 : index
    %swap3A_36 = arith.constant 0 : index
    %swap3A_37 = vector.load %arg3[%swap3A_34, %swap3A_35, %swap3A_36] : memref<4x8x1024xf32, #tpu.memory_space<vmem>>, vector<1x8x128xf32>
    %swap3A_38 = vector.shape_cast %swap3A_37 : vector<1x8x128xf32> to vector<8x128xf32>
    %swap3A_39 = vector.shape_cast %dot_general3A_33 : vector<8x128xf32> to vector<1x8x128xf32>
    tpu.vector_store %arg3[%swap3A_34, %swap3A_35, %swap3A_36], %swap3A_39 {strides = array<i32>} : memref<4x8x1024xf32, #tpu.memory_space<vmem>>, vector<1x8x128xf32>,
    %get3A_40 = arith.constant 3 : index
    %get3A_41 = arith.constant 0 : index
    %get3A_42 = arith.constant 0 : index
    %get3A_43 = vector.load %arg0[%get3A_40, %get3A_41, %get3A_42] : memref<4x1024x8xf32, #tpu.memory_space<vmem>>, vector<1x1024x8xf32>
    %get3A_44 = vector.shape_cast %get3A_43 : vector<1x1024x8xf32> to vector<1024x8xf32>
    %dot_general3A_45 = arith.constant dense<0.000000e+00> : vector<8x128xf32>
    %dot_general3A_46 = tpu.matmul %get3A_44, %convert_element_type3A_3, %dot_general3A_45 {dimension_numbers = #tpu.dot_dimension_numbers<[0], [0], [1], [1], [0, 1, 1, 1], [], []>, transpose_lhs_hint = false} : vector<1024x8xf32>, vector<1024x128xf32>, vector<8x128xf32> -> vector<8x128xf32>
    %swap3A_47 = arith.constant 3 : index
    %swap3A_48 = arith.constant 0 : index
    %swap3A_49 = arith.constant 0 : index
    %swap3A_50 = vector.load %arg3[%swap3A_47, %swap3A_48, %swap3A_49] : memref<4x8x1024xf32, #tpu.memory_space<vmem>>, vector<1x8x128xf32>
    %swap3A_51 = vector.shape_cast %swap3A_50 : vector<1x8x128xf32> to vector<8x128xf32>
    %swap3A_52 = vector.shape_cast %dot_general3A_46 : vector<8x128xf32> to vector<1x8x128xf32>
    tpu.vector_store %arg3[%swap3A_47, %swap3A_48, %swap3A_49], %swap3A_52 {strides = array<i32>} : memref<4x8x1024xf32, #tpu.memory_space<vmem>>, vector<1x8x128xf32>,
    %iota3A_53 = tpu.iota {dimensions = array<i32: 0>} : vector<1024x128xi32>
    %iota3A_54 = tpu.iota {dimensions = array<i32: 1>} : vector<1024x128xi32>
    %add3A_55 = arith.constant 128 : i32
    %add3A_56 = vector.broadcast %add3A_55 : i32 to vector<1024x128xi32>
    %add3A_57 = arith.addi %iota3A_54, %add3A_56 : vector<1024x128xi32>
    %eq3A_58 = arith.cmpi eq, %iota3A_53, %add3A_57 : vector<1024x128xi32>
    %convert_element_type3A_59 = arith.extui %eq3A_58 : vector<1024x128xi1> to vector<1024x128xi32>
    %convert_element_type3A_60 = arith.sitofp %convert_element_type3A_59 : vector<1024x128xi32> to vector<1024x128xf32>
    %get3A_61 = arith.constant 0 : index
    %get3A_62 = arith.constant 0 : index
    %get3A_63 = arith.constant 0 : index
    %get3A_64 = vector.load %arg0[%get3A_61, %get3A_62, %get3A_63] : memref<4x1024x8xf32, #tpu.memory_space<vmem>>, vector<1x1024x8xf32>
    %get3A_65 = vector.shape_cast %get3A_64 : vector<1x1024x8xf32> to vector<1024x8xf32>
    %dot_general3A_66 = arith.constant dense<0.000000e+00> : vector<8x128xf32>
    %dot_general3A_67 = tpu.matmul %get3A_65, %convert_element_type3A_60, %dot_general3A_66 {dimension_numbers = #tpu.dot_dimension_numbers<[0], [0], [1], [1], [0, 1, 1, 1], [], []>, transpose_lhs_hint = false} : vector<1024x8xf32>, vector<1024x128xf32>, vector<8x128xf32> -> vector<8x128xf32>
    %swap3A_68 = arith.constant 0 : index
    %swap3A_69 = arith.constant 0 : index
    %swap3A_70 = arith.constant 128 : index
    %swap3A_71 = vector.load %arg3[%swap3A_68, %swap3A_69, %swap3A_70] : memref<4x8x1024xf32, #tpu.memory_space<vmem>>, vector<1x8x128xf32>
    %swap3A_72 = vector.shape_cast %swap3A_71 : vector<1x8x128xf32> to vector<8x128xf32>
    %swap3A_73 = vector.shape_cast %dot_general3A_67 : vector<8x128xf32> to vector<1x8x128xf32>
    tpu.vector_store %arg3[%swap3A_68, %swap3A_69, %swap3A_70], %swap3A_73 {strides = array<i32>} : memref<4x8x1024xf32, #tpu.memory_space<vmem>>, vector<1x8x128xf32>,
    %get3A_74 = arith.constant 1 : index
    %get3A_75 = arith.constant 0 : index
    %get3A_76 = arith.constant 0 : index
    %get3A_77 = vector.load %arg0[%get3A_74, %get3A_75, %get3A_76] : memref<4x1024x8xf32, #tpu.memory_space<vmem>>, vector<1x1024x8xf32>
    %get3A_78 = vector.shape_cast %get3A_77 : vector<1x1024x8xf32> to vector<1024x8xf32>
    %dot_general3A_79 = arith.constant dense<0.000000e+00> : vector<8x128xf32>
    %dot_general3A_80 = tpu.matmul %get3A_78, %convert_element_type3A_60, %dot_general3A_79 {dimension_numbers = #tpu.dot_dimension_numbers<[0], [0], [1], [1], [0, 1, 1, 1], [], []>, transpose_lhs_hint = false} : vector<1024x8xf32>, vector<1024x128xf32>, vector<8x128xf32> -> vector<8x128xf32>
    %swap3A_81 = arith.constant 1 : index
    %swap3A_82 = arith.constant 0 : index
    %swap3A_83 = arith.constant 128 : index
    %swap3A_84 = vector.load %arg3[%swap3A_81, %swap3A_82, %swap3A_83] : memref<4x8x1024xf32, #tpu.memory_space<vmem>>, vector<1x8x128xf32>
    %swap3A_85 = vector.shape_cast %swap3A_84 : vector<1x8x128xf32> to vector<8x128xf32>
    %swap3A_86 = vector.shape_cast %dot_general3A_80 : vector<8x128xf32> to vector<1x8x128xf32>
    tpu.vector_store %arg3[%swap3A_81, %swap3A_82, %swap3A_83], %swap3A_86 {strides = array<i32>} : memref<4x8x1024xf32, #tpu.memory_space<vmem>>, vector<1x8x128xf32>,
    %get3A_87 = arith.constant 2 : index
    %get3A_88 = arith.constant 0 : index
    %get3A_89 = arith.constant 0 : index
    %get3A_90 = vector.load %arg0[%get3A_87, %get3A_88, %get3A_89] : memref<4x1024x8xf32, #tpu.memory_space<vmem>>, vector<1x1024x8xf32>
    %get3A_91 = vector.shape_cast %get3A_90 : vector<1x1024x8xf32> to vector<1024x8xf32>
    %dot_general3A_92 = arith.constant dense<0.000000e+00> : vector<8x128xf32>
    %dot_general3A_93 = tpu.matmul %get3A_91, %convert_element_type3A_60, %dot_general3A_92 {dimension_numbers = #tpu.dot_dimension_numbers<[0], [0], [1], [1], [0, 1, 1, 1], [], []>, transpose_lhs_hint = false} : vector<1024x8xf32>, vector<1024x128xf32>, vector<8x128xf32> -> vector<8x128xf32>
    %swap3A_94 = arith.constant 2 : index
    %swap3A_95 = arith.constant 0 : index
    %swap3A_96 = arith.constant 128 : index
    %swap3A_97 = vector.load %arg3[%swap3A_94, %swap3A_95, %swap3A_96] : memref<4x8x1024xf32, #tpu.memory_space<vmem>>, vector<1x8x128xf32>
    %swap3A_98 = vector.shape_cast %swap3A_97 : vector<1x8x128xf32> to vector<8x128xf32>
    %swap3A_99 = vector.shape_cast %dot_general3A_93 : vector<8x128xf32> to vector<1x8x128xf32>
    tpu.vector_store %arg3[%swap3A_94, %swap3A_95, %swap3A_96], %swap3A_99 {strides = array<i32>} : memref<4x8x1024xf32, #tpu.memory_space<vmem>>, vector<1x8x128xf32>,
    %get3A_100 = arith.constant 3 : index
    %get3A_101 = arith.constant 0 : index
    %get3A_102 = arith.constant 0 : index
    %get3A_103 = vector.load %arg0[%get3A_100, %get3A_101, %get3A_102] : memref<4x1024x8xf32, #tpu.memory_space<vmem>>, vector<1x1024x8xf32>
    %get3A_104 = vector.shape_cast %get3A_103 : vector<1x1024x8xf32> to vector<1024x8xf32>
    %dot_general3A_105 = arith.constant dense<0.000000e+00> : vector<8x128xf32>
    %dot_general3A_106 = tpu.matmul %get3A_104, %convert_element_type3A_60, %dot_general3A_105 {dimension_numbers = #tpu.dot_dimension_numbers<[0], [0], [1], [1], [0, 1, 1, 1], [], []>, transpose_lhs_hint = false} : vector<1024x8xf32>, vector<1024x128xf32>, vector<8x128xf32> -> vector<8x128xf32>
    %swap3A_107 = arith.constant 3 : index
    %swap3A_108 = arith.constant 0 : index
    %swap3A_109 = arith.constant 128 : index
    %swap3A_110 = vector.load %arg3[%swap3A_107, %swap3A_108, %swap3A_109] : memref<4x8x1024xf32, #tpu.memory_space<vmem>>, vector<1x8x128xf32>
    %swap3A_111 = vector.shape_cast %swap3A_110 : vector<1x8x128xf32> to vector<8x128xf32>
    %swap3A_112 = vector.shape_cast %dot_general3A_106 : vector<8x128xf32> to vector<1x8x128xf32>
    tpu.vector_store %arg3[%swap3A_107, %swap3A_108, %swap3A_109], %swap3A_112 {strides = array<i32>} : memref<4x8x1024xf32, #tpu.memory_space<vmem>>, vector<1x8x128xf32>,
    %iota3A_113 = tpu.iota {dimensions = array<i32: 0>} : vector<1024x128xi32>
    %iota3A_114 = tpu.iota {dimensions = array<i32: 1>} : vector<1024x128xi32>
    %add3A_115 = arith.constant 256 : i32
    %add3A_116 = vector.broadcast %add3A_115 : i32 to vector<1024x128xi32>
    %add3A_117 = arith.addi %iota3A_114, %add3A_116 : vector<1024x128xi32>
    %eq3A_118 = arith.cmpi eq, %iota3A_113, %add3A_117 : vector<1024x128xi32>
    %convert_element_type3A_119 = arith.extui %eq3A_118 : vector<1024x128xi1> to vector<1024x128xi32>
    %convert_element_type3A_120 = arith.sitofp %convert_element_type3A_119 : vector<1024x128xi32> to vector<1024x128xf32>
    %get3A_121 = arith.constant 0 : index
    %get3A_122 = arith.constant 0 : index
    %get3A_123 = arith.constant 0 : index
    %get3A_124 = vector.load %arg0[%get3A_121, %get3A_122, %get3A_123] : memref<4x1024x8xf32, #tpu.memory_space<vmem>>, vector<1x1024x8xf32>
    %get3A_125 = vector.shape_cast %get3A_124 : vector<1x1024x8xf32> to vector<1024x8xf32>
    %dot_general3A_126 = arith.constant dense<0.000000e+00> : vector<8x128xf32>
    %dot_general3A_127 = tpu.matmul %get3A_125, %convert_element_type3A_120, %dot_general3A_126 {dimension_numbers = #tpu.dot_dimension_numbers<[0], [0], [1], [1], [0, 1, 1, 1], [], []>, transpose_lhs_hint = false} : vector<1024x8xf32>, vector<1024x128xf32>, vector<8x128xf32> -> vector<8x128xf32>
    %swap3A_128 = arith.constant 0 : index
    %swap3A_129 = arith.constant 0 : index
    %swap3A_130 = arith.constant 256 : index
    %swap3A_131 = vector.load %arg3[%swap3A_128, %swap3A_129, %swap3A_130] : memref<4x8x1024xf32, #tpu.memory_space<vmem>>, vector<1x8x128xf32>
    %swap3A_132 = vector.shape_cast %swap3A_131 : vector<1x8x128xf32> to vector<8x128xf32>
    %swap3A_133 = vector.shape_cast %dot_general3A_127 : vector<8x128xf32> to vector<1x8x128xf32>
    tpu.vector_store %arg3[%swap3A_128, %swap3A_129, %swap3A_130], %swap3A_133 {strides = array<i32>} : memref<4x8x1024xf32, #tpu.memory_space<vmem>>, vector<1x8x128xf32>,
    %get3A_134 = arith.constant 1 : index
    %get3A_135 = arith.constant 0 : index
    %get3A_136 = arith.constant 0 : index
    %get3A_137 = vector.load %arg0[%get3A_134, %get3A_135, %get3A_136] : memref<4x1024x8xf32, #tpu.memory_space<vmem>>, vector<1x1024x8xf32>
    %get3A_138 = vector.shape_cast %get3A_137 : vector<1x1024x8xf32> to vector<1024x8xf32>
    %dot_general3A_139 = arith.constant dense<0.000000e+00> : vector<8x128xf32>
    %dot_general3A_140 = tpu.matmul %get3A_138, %convert_element_type3A_120, %dot_general3A_139 {dimension_numbers = #tpu.dot_dimension_numbers<[0], [0], [1], [1], [0, 1, 1, 1], [], []>, transpose_lhs_hint = false} : vector<1024x8xf32>, vector<1024x128xf32>, vector<8x128xf32> -> vector<8x128xf32>
    %swap3A_141 = arith.constant 1 : index
    %swap3A_142 = arith.constant 0 : index
    %swap3A_143 = arith.constant 256 : index
    %swap3A_144 = vector.load %arg3[%swap3A_141, %swap3A_142, %swap3A_143] : memref<4x8x1024xf32, #tpu.memory_space<vmem>>, vector<1x8x128xf32>
    %swap3A_145 = vector.shape_cast %swap3A_144 : vector<1x8x128xf32> to vector<8x128xf32>
    %swap3A_146 = vector.shape_cast %dot_general3A_140 : vector<8x128xf32> to vector<1x8x128xf32>
    tpu.vector_store %arg3[%swap3A_141, %swap3A_142, %swap3A_143], %swap3A_146 {strides = array<i32>} : memref<4x8x1024xf32, #tpu.memory_space<vmem>>, vector<1x8x128xf32>,
    %get3A_147 = arith.constant 2 : index
    %get3A_148 = arith.constant 0 : index
    %get3A_149 = arith.constant 0 : index
    %get3A_150 = vector.load %arg0[%get3A_147, %get3A_148, %get3A_149] : memref<4x1024x8xf32, #tpu.memory_space<vmem>>, vector<1x1024x8xf32>
    %get3A_151 = vector.shape_cast %get3A_150 : vector<1x1024x8xf32> to vector<1024x8xf32>
    %dot_general3A_152 = arith.constant dense<0.000000e+00> : vector<8x128xf32>
    %dot_general3A_153 = tpu.matmul %get3A_151, %convert_element_type3A_120, %dot_general3A_152 {dimension_numbers = #tpu.dot_dimension_numbers<[0], [0], [1], [1], [0, 1, 1, 1], [], []>, transpose_lhs_hint = false} : vector<1024x8xf32>, vector<1024x128xf32>, vector<8x128xf32> -> vector<8x128xf32>
    %swap3A_154 = arith.constant 2 : index
    %swap3A_155 = arith.constant 0 : index
    %swap3A_156 = arith.constant 256 : index
    %swap3A_157 = vector.load %arg3[%swap3A_154, %swap3A_155, %swap3A_156] : memref<4x8x1024xf32, #tpu.memory_space<vmem>>, vector<1x8x128xf32>
    %swap3A_158 = vector.shape_cast %swap3A_157 : vector<1x8x128xf32> to vector<8x128xf32>
    %swap3A_159 = vector.shape_cast %dot_general3A_153 : vector<8x128xf32> to vector<1x8x128xf32>
    tpu.vector_store %arg3[%swap3A_154, %swap3A_155, %swap3A_156], %swap3A_159 {strides = array<i32>} : memref<4x8x1024xf32, #tpu.memory_space<vmem>>, vector<1x8x128xf32>,
    %get3A_160 = arith.constant 3 : index
    %get3A_161 = arith.constant 0 : index
    %get3A_162 = arith.constant 0 : index
    %get3A_163 = vector.load %arg0[%get3A_160, %get3A_161, %get3A_162] : memref<4x1024x8xf32, #tpu.memory_space<vmem>>, vector<1x1024x8xf32>
    %get3A_164 = vector.shape_cast %get3A_163 : vector<1x1024x8xf32> to vector<1024x8xf32>
    %dot_general3A_165 = arith.constant dense<0.000000e+00> : vector<8x128xf32>
    %dot_general3A_166 = tpu.matmul %get3A_164, %convert_element_type3A_120, %dot_general3A_165 {dimension_numbers = #tpu.dot_dimension_numbers<[0], [0], [1], [1], [0, 1, 1, 1], [], []>, transpose_lhs_hint = false} : vector<1024x8xf32>, vector<1024x128xf32>, vector<8x128xf32> -> vector<8x128xf32>
    %swap3A_167 = arith.constant 3 : index
    %swap3A_168 = arith.constant 0 : index
    %swap3A_169 = arith.constant 256 : index
    %swap3A_170 = vector.load %arg3[%swap3A_167, %swap3A_168, %swap3A_169] : memref<4x8x1024xf32, #tpu.memory_space<vmem>>, vector<1x8x128xf32>
    %swap3A_171 = vector.shape_cast %swap3A_170 : vector<1x8x128xf32> to vector<8x128xf32>
    %swap3A_172 = vector.shape_cast %dot_general3A_166 : vector<8x128xf32> to vector<1x8x128xf32>
    tpu.vector_store %arg3[%swap3A_167, %swap3A_168, %swap3A_169], %swap3A_172 {strides = array<i32>} : memref<4x8x1024xf32, #tpu.memory_space<vmem>>, vector<1x8x128xf32>,
    %iota3A_173 = tpu.iota {dimensions = array<i32: 0>} : vector<1024x128xi32>
    %iota3A_174 = tpu.iota {dimensions = array<i32: 1>} : vector<1024x128xi32>
    %add3A_175 = arith.constant 384 : i32
    %add3A_176 = vector.broadcast %add3A_175 : i32 to vector<1024x128xi32>
    %add3A_177 = arith.addi %iota3A_174, %add3A_176 : vector<1024x128xi32>
    %eq3A_178 = arith.cmpi eq, %iota3A_173, %add3A_177 : vector<1024x128xi32>
    %convert_element_type3A_179 = arith.extui %eq3A_178 : vector<1024x128xi1> to vector<1024x128xi32>
    %convert_element_type3A_180 = arith.sitofp %convert_element_type3A_179 : vector<1024x128xi32> to vector<1024x128xf32>
    %get3A_181 = arith.constant 0 : index
    %get3A_182 = arith.constant 0 : index
    %get3A_183 = arith.constant 0 : index
    %get3A_184 = vector.load %arg0[%get3A_181, %get3A_182, %get3A_183] : memref<4x1024x8xf32, #tpu.memory_space<vmem>>, vector<1x1024x8xf32>
    %get3A_185 = vector.shape_cast %get3A_184 : vector<1x1024x8xf32> to vector<1024x8xf32>
    %dot_general3A_186 = arith.constant dense<0.000000e+00> : vector<8x128xf32>
    %dot_general3A_187 = tpu.matmul %get3A_185, %convert_element_type3A_180, %dot_general3A_186 {dimension_numbers = #tpu.dot_dimension_numbers<[0], [0], [1], [1], [0, 1, 1, 1], [], []>, transpose_lhs_hint = false} : vector<1024x8xf32>, vector<1024x128xf32>, vector<8x128xf32> -> vector<8x128xf32>
    %swap3A_188 = arith.constant 0 : index
    %swap3A_189 = arith.constant 0 : index
    %swap3A_190 = arith.constant 384 : index
    %swap3A_191 = vector.load %arg3[%swap3A_188, %swap3A_189, %swap3A_190] : memref<4x8x1024xf32, #tpu.memory_space<vmem>>, vector<1x8x128xf32>
    %swap3A_192 = vector.shape_cast %swap3A_191 : vector<1x8x128xf32> to vector<8x128xf32>
    %swap3A_193 = vector.shape_cast %dot_general3A_187 : vector<8x128xf32> to vector<1x8x128xf32>
    tpu.vector_store %arg3[%swap3A_188, %swap3A_189, %swap3A_190], %swap3A_193 {strides = array<i32>} : memref<4x8x1024xf32, #tpu.memory_space<vmem>>, vector<1x8x128xf32>,
    %get3A_194 = arith.constant 1 : index
    %get3A_195 = arith.constant 0 : index
    %get3A_196 = arith.constant 0 : index
    %get3A_197 = vector.load %arg0[%get3A_194, %get3A_195, %get3A_196] : memref<4x1024x8xf32, #tpu.memory_space<vmem>>, vector<1x1024x8xf32>
    %get3A_198 = vector.shape_cast %get3A_197 : vector<1x1024x8xf32> to vector<1024x8xf32>
    %dot_general3A_199 = arith.constant dense<0.000000e+00> : vector<8x128xf32>
    %dot_general3A_200 = tpu.matmul %get3A_198, %convert_element_type3A_180, %dot_general3A_199 {dimension_numbers = #tpu.dot_dimension_numbers<[0], [0], [1], [1], [0, 1, 1, 1], [], []>, transpose_lhs_hint = false} : vector<1024x8xf32>, vector<1024x128xf32>, vector<8x128xf32> -> vector<8x128xf32>
    %swap3A_201 = arith.constant 1 : index
    %swap3A_202 = arith.constant 0 : index
    %swap3A_203 = arith.constant 384 : index
    %swap3A_204 = vector.load %arg3[%swap3A_201, %swap3A_202, %swap3A_203] : memref<4x8x1024xf32, #tpu.memory_space<vmem>>, vector<1x8x128xf32>
    %swap3A_205 = vector.shape_cast %swap3A_204 : vector<1x8x128xf32> to vector<8x128xf32>
    %swap3A_206 = vector.shape_cast %dot_general3A_200 : vector<8x128xf32> to vector<1x8x128xf32>
    tpu.vector_store %arg3[%swap3A_201, %swap3A_202, %swap3A_203], %swap3A_206 {strides = array<i32>} : memref<4x8x1024xf32, #tpu.memory_space<vmem>>, vector<1x8x128xf32>,
    %get3A_207 = arith.constant 2 : index
    %get3A_208 = arith.constant 0 : index
    %get3A_209 = arith.constant 0 : index
    %get3A_210 = vector.load %arg0[%get3A_207, %get3A_208, %get3A_209] : memref<4x1024x8xf32, #tpu.memory_space<vmem>>, vector<1x1024x8xf32>
    %get3A_211 = vector.shape_cast %get3A_210 : vector<1x1024x8xf32> to vector<1024x8xf32>
    %dot_general3A_212 = arith.constant dense<0.000000e+00> : vector<8x128xf32>
    %dot_general3A_213 = tpu.matmul %get3A_211, %convert_element_type3A_180, %dot_general3A_212 {dimension_numbers = #tpu.dot_dimension_numbers<[0], [0], [1], [1], [0, 1, 1, 1], [], []>, transpose_lhs_hint = false} : vector<1024x8xf32>, vector<1024x128xf32>, vector<8x128xf32> -> vector<8x128xf32>
    %swap3A_214 = arith.constant 2 : index
    %swap3A_215 = arith.constant 0 : index
    %swap3A_216 = arith.constant 384 : index
    %swap3A_217 = vector.load %arg3[%swap3A_214, %swap3A_215, %swap3A_216] : memref<4x8x1024xf32, #tpu.memory_space<vmem>>, vector<1x8x128xf32>
    %swap3A_218 = vector.shape_cast %swap3A_217 : vector<1x8x128xf32> to vector<8x128xf32>
    %swap3A_219 = vector.shape_cast %dot_general3A_213 : vector<8x128xf32> to vector<1x8x128xf32>
    tpu.vector_store %arg3[%swap3A_214, %swap3A_215, %swap3A_216], %swap3A_219 {strides = array<i32>} : memref<4x8x1024xf32, #tpu.memory_space<vmem>>, vector<1x8x128xf32>,
    %get3A_220 = arith.constant 3 : index
    %get3A_221 = arith.constant 0 : index
    %get3A_222 = arith.constant 0 : index
    %get3A_223 = vector.load %arg0[%get3A_220, %get3A_221, %get3A_222] : memref<4x1024x8xf32, #tpu.memory_space<vmem>>, vector<1x1024x8xf32>
    %get3A_224 = vector.shape_cast %get3A_223 : vector<1x1024x8xf32> to vector<1024x8xf32>
    %dot_general3A_225 = arith.constant dense<0.000000e+00> : vector<8x128xf32>
    %dot_general3A_226 = tpu.matmul %get3A_224, %convert_element_type3A_180, %dot_general3A_225 {dimension_numbers = #tpu.dot_dimension_numbers<[0], [0], [1], [1], [0, 1, 1, 1], [], []>, transpose_lhs_hint = false} : vector<1024x8xf32>, vector<1024x128xf32>, vector<8x128xf32> -> vector<8x128xf32>
    %swap3A_227 = arith.constant 3 : index
    %swap3A_228 = arith.constant 0 : index
    %swap3A_229 = arith.constant 384 : index
    %swap3A_230 = vector.load %arg3[%swap3A_227, %swap3A_228, %swap3A_229] : memref<4x8x1024xf32, #tpu.memory_space<vmem>>, vector<1x8x128xf32>
    %swap3A_231 = vector.shape_cast %swap3A_230 : vector<1x8x128xf32> to vector<8x128xf32>
    %swap3A_232 = vector.shape_cast %dot_general3A_226 : vector<8x128xf32> to vector<1x8x128xf32>
    tpu.vector_store %arg3[%swap3A_227, %swap3A_228, %swap3A_229], %swap3A_232 {strides = array<i32>} : memref<4x8x1024xf32, #tpu.memory_space<vmem>>, vector<1x8x128xf32>,
    %iota3A_233 = tpu.iota {dimensions = array<i32: 0>} : vector<1024x128xi32>
    %iota3A_234 = tpu.iota {dimensions = array<i32: 1>} : vector<1024x128xi32>
    %add3A_235 = arith.constant 512 : i32
    %add3A_236 = vector.broadcast %add3A_235 : i32 to vector<1024x128xi32>
    %add3A_237 = arith.addi %iota3A_234, %add3A_236 : vector<1024x128xi32>
    %eq3A_238 = arith.cmpi eq, %iota3A_233, %add3A_237 : vector<1024x128xi32>
    %convert_element_type3A_239 = arith.extui %eq3A_238 : vector<1024x128xi1> to vector<1024x128xi32>
    %convert_element_type3A_240 = arith.sitofp %convert_element_type3A_239 : vector<1024x128xi32> to vector<1024x128xf32>
    %get3A_241 = arith.constant 0 : index
    %get3A_242 = arith.constant 0 : index
    %get3A_243 = arith.constant 0 : index
    %get3A_244 = vector.load %arg0[%get3A_241, %get3A_242, %get3A_243] : memref<4x1024x8xf32, #tpu.memory_space<vmem>>, vector<1x1024x8xf32>
    %get3A_245 = vector.shape_cast %get3A_244 : vector<1x1024x8xf32> to vector<1024x8xf32>
    %dot_general3A_246 = arith.constant dense<0.000000e+00> : vector<8x128xf32>
    %dot_general3A_247 = tpu.matmul %get3A_245, %convert_element_type3A_240, %dot_general3A_246 {dimension_numbers = #tpu.dot_dimension_numbers<[0], [0], [1], [1], [0, 1, 1, 1], [], []>, transpose_lhs_hint = false} : vector<1024x8xf32>, vector<1024x128xf32>, vector<8x128xf32> -> vector<8x128xf32>
    %swap3A_248 = arith.constant 0 : index
    %swap3A_249 = arith.constant 0 : index
    %swap3A_250 = arith.constant 512 : index
    %swap3A_251 = vector.load %arg3[%swap3A_248, %swap3A_249, %swap3A_250] : memref<4x8x1024xf32, #tpu.memory_space<vmem>>, vector<1x8x128xf32>
    %swap3A_252 = vector.shape_cast %swap3A_251 : vector<1x8x128xf32> to vector<8x128xf32>
    %swap3A_253 = vector.shape_cast %dot_general3A_247 : vector<8x128xf32> to vector<1x8x128xf32>
    tpu.vector_store %arg3[%swap3A_248, %swap3A_249, %swap3A_250], %swap3A_253 {strides = array<i32>} : memref<4x8x1024xf32, #tpu.memory_space<vmem>>, vector<1x8x128xf32>,
    %get3A_254 = arith.constant 1 : index
    %get3A_255 = arith.constant 0 : index
    %get3A_256 = arith.constant 0 : index
    %get3A_257 = vector.load %arg0[%get3A_254, %get3A_255, %get3A_256] : memref<4x1024x8xf32, #tpu.memory_space<vmem>>, vector<1x1024x8xf32>
    %get3A_258 = vector.shape_cast %get3A_257 : vector<1x1024x8xf32> to vector<1024x8xf32>
    %dot_general3A_259 = arith.constant dense<0.000000e+00> : vector<8x128xf32>
    %dot_general3A_260 = tpu.matmul %get3A_258, %convert_element_type3A_240, %dot_general3A_259 {dimension_numbers = #tpu.dot_dimension_numbers<[0], [0], [1], [1], [0, 1, 1, 1], [], []>, transpose_lhs_hint = false} : vector<1024x8xf32>, vector<1024x128xf32>, vector<8x128xf32> -> vector<8x128xf32>
    %swap3A_261 = arith.constant 1 : index
    %swap3A_262 = arith.constant 0 : index
    %swap3A_263 = arith.constant 512 : index
    %swap3A_264 = vector.load %arg3[%swap3A_261, %swap3A_262, %swap3A_263] : memref<4x8x1024xf32, #tpu.memory_space<vmem>>, vector<1x8x128xf32>
    %swap3A_265 = vector.shape_cast %swap3A_264 : vector<1x8x128xf32> to vector<8x128xf32>
    %swap3A_266 = vector.shape_cast %dot_general3A_260 : vector<8x128xf32> to vector<1x8x128xf32>
    tpu.vector_store %arg3[%swap3A_261, %swap3A_262, %swap3A_263], %swap3A_266 {strides = array<i32>} : memref<4x8x1024xf32, #tpu.memory_space<vmem>>, vector<1x8x128xf32>,
    %get3A_267 = arith.constant 2 : index
    %get3A_268 = arith.constant 0 : index
    %get3A_269 = arith.constant 0 : index
    %get3A_270 = vector.load %arg0[%get3A_267, %get3A_268, %get3A_269] : memref<4x1024x8xf32, #tpu.memory_space<vmem>>, vector<1x1024x8xf32>
    %get3A_271 = vector.shape_cast %get3A_270 : vector<1x1024x8xf32> to vector<1024x8xf32>
    %dot_general3A_272 = arith.constant dense<0.000000e+00> : vector<8x128xf32>
    %dot_general3A_273 = tpu.matmul %get3A_271, %convert_element_type3A_240, %dot_general3A_272 {dimension_numbers = #tpu.dot_dimension_numbers<[0], [0], [1], [1], [0, 1, 1, 1], [], []>, transpose_lhs_hint = false} : vector<1024x8xf32>, vector<1024x128xf32>, vector<8x128xf32> -> vector<8x128xf32>
    %swap3A_274 = arith.constant 2 : index
    %swap3A_275 = arith.constant 0 : index
    %swap3A_276 = arith.constant 512 : index
    %swap3A_277 = vector.load %arg3[%swap3A_274, %swap3A_275, %swap3A_276] : memref<4x8x1024xf32, #tpu.memory_space<vmem>>, vector<1x8x128xf32>
    %swap3A_278 = vector.shape_cast %swap3A_277 : vector<1x8x128xf32> to vector<8x128xf32>
    %swap3A_279 = vector.shape_cast %dot_general3A_273 : vector<8x128xf32> to vector<1x8x128xf32>
    tpu.vector_store %arg3[%swap3A_274, %swap3A_275, %swap3A_276], %swap3A_279 {strides = array<i32>} : memref<4x8x1024xf32, #tpu.memory_space<vmem>>, vector<1x8x128xf32>,
    %get3A_280 = arith.constant 3 : index
    %get3A_281 = arith.constant 0 : index
    %get3A_282 = arith.constant 0 : index
    %get3A_283 = vector.load %arg0[%get3A_280, %get3A_281, %get3A_282] : memref<4x1024x8xf32, #tpu.memory_space<vmem>>, vector<1x1024x8xf32>
    %get3A_284 = vector.shape_cast %get3A_283 : vector<1x1024x8xf32> to vector<1024x8xf32>
    %dot_general3A_285 = arith.constant dense<0.000000e+00> : vector<8x128xf32>
    %dot_general3A_286 = tpu.matmul %get3A_284, %convert_element_type3A_240, %dot_general3A_285 {dimension_numbers = #tpu.dot_dimension_numbers<[0], [0], [1], [1], [0, 1, 1, 1], [], []>, transpose_lhs_hint = false} : vector<1024x8xf32>, vector<1024x128xf32>, vector<8x128xf32> -> vector<8x128xf32>
    %swap3A_287 = arith.constant 3 : index
    %swap3A_288 = arith.constant 0 : index
    %swap3A_289 = arith.constant 512 : index
    %swap3A_290 = vector.load %arg3[%swap3A_287, %swap3A_288, %swap3A_289] : memref<4x8x1024xf32, #tpu.memory_space<vmem>>, vector<1x8x128xf32>
    %swap3A_291 = vector.shape_cast %swap3A_290 : vector<1x8x128xf32> to vector<8x128xf32>
    %swap3A_292 = vector.shape_cast %dot_general3A_286 : vector<8x128xf32> to vector<1x8x128xf32>
    tpu.vector_store %arg3[%swap3A_287, %swap3A_288, %swap3A_289], %swap3A_292 {strides = array<i32>} : memref<4x8x1024xf32, #tpu.memory_space<vmem>>, vector<1x8x128xf32>,
    %iota3A_293 = tpu.iota {dimensions = array<i32: 0>} : vector<1024x128xi32>
    %iota3A_294 = tpu.iota {dimensions = array<i32: 1>} : vector<1024x128xi32>
    %add3A_295 = arith.constant 640 : i32
    %add3A_296 = vector.broadcast %add3A_295 : i32 to vector<1024x128xi32>
    %add3A_297 = arith.addi %iota3A_294, %add3A_296 : vector<1024x128xi32>
    %eq3A_298 = arith.cmpi eq, %iota3A_293, %add3A_297 : vector<1024x128xi32>
    %convert_element_type3A_299 = arith.extui %eq3A_298 : vector<1024x128xi1> to vector<1024x128xi32>
    %convert_element_type3A_300 = arith.sitofp %convert_element_type3A_299 : vector<1024x128xi32> to vector<1024x128xf32>
    %get3A_301 = arith.constant 0 : index
    %get3A_302 = arith.constant 0 : index
    %get3A_303 = arith.constant 0 : index
    %get3A_304 = vector.load %arg0[%get3A_301, %get3A_302, %get3A_303] : memref<4x1024x8xf32, #tpu.memory_space<vmem>>, vector<1x1024x8xf32>
    %get3A_305 = vector.shape_cast %get3A_304 : vector<1x1024x8xf32> to vector<1024x8xf32>
    %dot_general3A_306 = arith.constant dense<0.000000e+00> : vector<8x128xf32>
    %dot_general3A_307 = tpu.matmul %get3A_305, %convert_element_type3A_300, %dot_general3A_306 {dimension_numbers = #tpu.dot_dimension_numbers<[0], [0], [1], [1], [0, 1, 1, 1], [], []>, transpose_lhs_hint = false} : vector<1024x8xf32>, vector<1024x128xf32>, vector<8x128xf32> -> vector<8x128xf32>
    %swap3A_308 = arith.constant 0 : index
    %swap3A_309 = arith.constant 0 : index
    %swap3A_310 = arith.constant 640 : index
    %swap3A_311 = vector.load %arg3[%swap3A_308, %swap3A_309, %swap3A_310] : memref<4x8x1024xf32, #tpu.memory_space<vmem>>, vector<1x8x128xf32>
    %swap3A_312 = vector.shape_cast %swap3A_311 : vector<1x8x128xf32> to vector<8x128xf32>
    %swap3A_313 = vector.shape_cast %dot_general3A_307 : vector<8x128xf32> to vector<1x8x128xf32>
    tpu.vector_store %arg3[%swap3A_308, %swap3A_309, %swap3A_310], %swap3A_313 {strides = array<i32>} : memref<4x8x1024xf32, #tpu.memory_space<vmem>>, vector<1x8x128xf32>,
    %get3A_314 = arith.constant 1 : index
    %get3A_315 = arith.constant 0 : index
    %get3A_316 = arith.constant 0 : index
    %get3A_317 = vector.load %arg0[%get3A_314, %get3A_315, %get3A_316] : memref<4x1024x8xf32, #tpu.memory_space<vmem>>, vector<1x1024x8xf32>
    %get3A_318 = vector.shape_cast %get3A_317 : vector<1x1024x8xf32> to vector<1024x8xf32>
    %dot_general3A_319 = arith.constant dense<0.000000e+00> : vector<8x128xf32>
    %dot_general3A_320 = tpu.matmul %get3A_318, %convert_element_type3A_300, %dot_general3A_319 {dimension_numbers = #tpu.dot_dimension_numbers<[0], [0], [1], [1], [0, 1, 1, 1], [], []>, transpose_lhs_hint = false} : vector<1024x8xf32>, vector<1024x128xf32>, vector<8x128xf32> -> vector<8x128xf32>
    %swap3A_321 = arith.constant 1 : index
    %swap3A_322 = arith.constant 0 : index
    %swap3A_323 = arith.constant 640 : index
    %swap3A_324 = vector.load %arg3[%swap3A_321, %swap3A_322, %swap3A_323] : memref<4x8x1024xf32, #tpu.memory_space<vmem>>, vector<1x8x128xf32>
    %swap3A_325 = vector.shape_cast %swap3A_324 : vector<1x8x128xf32> to vector<8x128xf32>
    %swap3A_326 = vector.shape_cast %dot_general3A_320 : vector<8x128xf32> to vector<1x8x128xf32>
    tpu.vector_store %arg3[%swap3A_321, %swap3A_322, %swap3A_323], %swap3A_326 {strides = array<i32>} : memref<4x8x1024xf32, #tpu.memory_space<vmem>>, vector<1x8x128xf32>,
    %get3A_327 = arith.constant 2 : index
    %get3A_328 = arith.constant 0 : index
    %get3A_329 = arith.constant 0 : index
    %get3A_330 = vector.load %arg0[%get3A_327, %get3A_328, %get3A_329] : memref<4x1024x8xf32, #tpu.memory_space<vmem>>, vector<1x1024x8xf32>
    %get3A_331 = vector.shape_cast %get3A_330 : vector<1x1024x8xf32> to vector<1024x8xf32>
    %dot_general3A_332 = arith.constant dense<0.000000e+00> : vector<8x128xf32>
    %dot_general3A_333 = tpu.matmul %get3A_331, %convert_element_type3A_300, %dot_general3A_332 {dimension_numbers = #tpu.dot_dimension_numbers<[0], [0], [1], [1], [0, 1, 1, 1], [], []>, transpose_lhs_hint = false} : vector<1024x8xf32>, vector<1024x128xf32>, vector<8x128xf32> -> vector<8x128xf32>
    %swap3A_334 = arith.constant 2 : index
    %swap3A_335 = arith.constant 0 : index
    %swap3A_336 = arith.constant 640 : index
    %swap3A_337 = vector.load %arg3[%swap3A_334, %swap3A_335, %swap3A_336] : memref<4x8x1024xf32, #tpu.memory_space<vmem>>, vector<1x8x128xf32>
    %swap3A_338 = vector.shape_cast %swap3A_337 : vector<1x8x128xf32> to vector<8x128xf32>
    %swap3A_339 = vector.shape_cast %dot_general3A_333 : vector<8x128xf32> to vector<1x8x128xf32>
    tpu.vector_store %arg3[%swap3A_334, %swap3A_335, %swap3A_336], %swap3A_339 {strides = array<i32>} : memref<4x8x1024xf32, #tpu.memory_space<vmem>>, vector<1x8x128xf32>,
    %get3A_340 = arith.constant 3 : index
    %get3A_341 = arith.constant 0 : index
    %get3A_342 = arith.constant 0 : index
    %get3A_343 = vector.load %arg0[%get3A_340, %get3A_341, %get3A_342] : memref<4x1024x8xf32, #tpu.memory_space<vmem>>, vector<1x1024x8xf32>
    %get3A_344 = vector.shape_cast %get3A_343 : vector<1x1024x8xf32> to vector<1024x8xf32>
    %dot_general3A_345 = arith.constant dense<0.000000e+00> : vector<8x128xf32>
    %dot_general3A_346 = tpu.matmul %get3A_344, %convert_element_type3A_300, %dot_general3A_345 {dimension_numbers = #tpu.dot_dimension_numbers<[0], [0], [1], [1], [0, 1, 1, 1], [], []>, transpose_lhs_hint = false} : vector<1024x8xf32>, vector<1024x128xf32>, vector<8x128xf32> -> vector<8x128xf32>
    %swap3A_347 = arith.constant 3 : index
    %swap3A_348 = arith.constant 0 : index
    %swap3A_349 = arith.constant 640 : index
    %swap3A_350 = vector.load %arg3[%swap3A_347, %swap3A_348, %swap3A_349] : memref<4x8x1024xf32, #tpu.memory_space<vmem>>, vector<1x8x128xf32>
    %swap3A_351 = vector.shape_cast %swap3A_350 : vector<1x8x128xf32> to vector<8x128xf32>
    %swap3A_352 = vector.shape_cast %dot_general3A_346 : vector<8x128xf32> to vector<1x8x128xf32>
    tpu.vector_store %arg3[%swap3A_347, %swap3A_348, %swap3A_349], %swap3A_352 {strides = array<i32>} : memref<4x8x1024xf32, #tpu.memory_space<vmem>>, vector<1x8x128xf32>,
    %iota3A_353 = tpu.iota {dimensions = array<i32: 0>} : vector<1024x128xi32>
    %iota3A_354 = tpu.iota {dimensions = array<i32: 1>} : vector<1024x128xi32>
    %add3A_355 = arith.constant 768 : i32
    %add3A_356 = vector.broadcast %add3A_355 : i32 to vector<1024x128xi32>
    %add3A_357 = arith.addi %iota3A_354, %add3A_356 : vector<1024x128xi32>
    %eq3A_358 = arith.cmpi eq, %iota3A_353, %add3A_357 : vector<1024x128xi32>
    %convert_element_type3A_359 = arith.extui %eq3A_358 : vector<1024x128xi1> to vector<1024x128xi32>
    %convert_element_type3A_360 = arith.sitofp %convert_element_type3A_359 : vector<1024x128xi32> to vector<1024x128xf32>
    %get3A_361 = arith.constant 0 : index
    %get3A_362 = arith.constant 0 : index
    %get3A_363 = arith.constant 0 : index
    %get3A_364 = vector.load %arg0[%get3A_361, %get3A_362, %get3A_363] : memref<4x1024x8xf32, #tpu.memory_space<vmem>>, vector<1x1024x8xf32>
    %get3A_365 = vector.shape_cast %get3A_364 : vector<1x1024x8xf32> to vector<1024x8xf32>
    %dot_general3A_366 = arith.constant dense<0.000000e+00> : vector<8x128xf32>
    %dot_general3A_367 = tpu.matmul %get3A_365, %convert_element_type3A_360, %dot_general3A_366 {dimension_numbers = #tpu.dot_dimension_numbers<[0], [0], [1], [1], [0, 1, 1, 1], [], []>, transpose_lhs_hint = false} : vector<1024x8xf32>, vector<1024x128xf32>, vector<8x128xf32> -> vector<8x128xf32>
    %swap3A_368 = arith.constant 0 : index
    %swap3A_369 = arith.constant 0 : index
    %swap3A_370 = arith.constant 768 : index
    %swap3A_371 = vector.load %arg3[%swap3A_368, %swap3A_369, %swap3A_370] : memref<4x8x1024xf32, #tpu.memory_space<vmem>>, vector<1x8x128xf32>
    %swap3A_372 = vector.shape_cast %swap3A_371 : vector<1x8x128xf32> to vector<8x128xf32>
    %swap3A_373 = vector.shape_cast %dot_general3A_367 : vector<8x128xf32> to vector<1x8x128xf32>
    tpu.vector_store %arg3[%swap3A_368, %swap3A_369, %swap3A_370], %swap3A_373 {strides = array<i32>} : memref<4x8x1024xf32, #tpu.memory_space<vmem>>, vector<1x8x128xf32>,
    %get3A_374 = arith.constant 1 : index
    %get3A_375 = arith.constant 0 : index
    %get3A_376 = arith.constant 0 : index
    %get3A_377 = vector.load %arg0[%get3A_374, %get3A_375, %get3A_376] : memref<4x1024x8xf32, #tpu.memory_space<vmem>>, vector<1x1024x8xf32>
    %get3A_378 = vector.shape_cast %get3A_377 : vector<1x1024x8xf32> to vector<1024x8xf32>
    %dot_general3A_379 = arith.constant dense<0.000000e+00> : vector<8x128xf32>
    %dot_general3A_380 = tpu.matmul %get3A_378, %convert_element_type3A_360, %dot_general3A_379 {dimension_numbers = #tpu.dot_dimension_numbers<[0], [0], [1], [1], [0, 1, 1, 1], [], []>, transpose_lhs_hint = false} : vector<1024x8xf32>, vector<1024x128xf32>, vector<8x128xf32> -> vector<8x128xf32>
    %swap3A_381 = arith.constant 1 : index
    %swap3A_382 = arith.constant 0 : index
    %swap3A_383 = arith.constant 768 : index
    %swap3A_384 = vector.load %arg3[%swap3A_381, %swap3A_382, %swap3A_383] : memref<4x8x1024xf32, #tpu.memory_space<vmem>>, vector<1x8x128xf32>
    %swap3A_385 = vector.shape_cast %swap3A_384 : vector<1x8x128xf32> to vector<8x128xf32>
    %swap3A_386 = vector.shape_cast %dot_general3A_380 : vector<8x128xf32> to vector<1x8x128xf32>
    tpu.vector_store %arg3[%swap3A_381, %swap3A_382, %swap3A_383], %swap3A_386 {strides = array<i32>} : memref<4x8x1024xf32, #tpu.memory_space<vmem>>, vector<1x8x128xf32>,
    %get3A_387 = arith.constant 2 : index
    %get3A_388 = arith.constant 0 : index
    %get3A_389 = arith.constant 0 : index
    %get3A_390 = vector.load %arg0[%get3A_387, %get3A_388, %get3A_389] : memref<4x1024x8xf32, #tpu.memory_space<vmem>>, vector<1x1024x8xf32>
    %get3A_391 = vector.shape_cast %get3A_390 : vector<1x1024x8xf32> to vector<1024x8xf32>
    %dot_general3A_392 = arith.constant dense<0.000000e+00> : vector<8x128xf32>
    %dot_general3A_393 = tpu.matmul %get3A_391, %convert_element_type3A_360, %dot_general3A_392 {dimension_numbers = #tpu.dot_dimension_numbers<[0], [0], [1], [1], [0, 1, 1, 1], [], []>, transpose_lhs_hint = false} : vector<1024x8xf32>, vector<1024x128xf32>, vector<8x128xf32> -> vector<8x128xf32>
    %swap3A_394 = arith.constant 2 : index
    %swap3A_395 = arith.constant 0 : index
    %swap3A_396 = arith.constant 768 : index
    %swap3A_397 = vector.load %arg3[%swap3A_394, %swap3A_395, %swap3A_396] : memref<4x8x1024xf32, #tpu.memory_space<vmem>>, vector<1x8x128xf32>
    %swap3A_398 = vector.shape_cast %swap3A_397 : vector<1x8x128xf32> to vector<8x128xf32>
    %swap3A_399 = vector.shape_cast %dot_general3A_393 : vector<8x128xf32> to vector<1x8x128xf32>
    tpu.vector_store %arg3[%swap3A_394, %swap3A_395, %swap3A_396], %swap3A_399 {strides = array<i32>} : memref<4x8x1024xf32, #tpu.memory_space<vmem>>, vector<1x8x128xf32>,
    %get3A_400 = arith.constant 3 : index
    %get3A_401 = arith.constant 0 : index
    %get3A_402 = arith.constant 0 : index
    %get3A_403 = vector.load %arg0[%get3A_400, %get3A_401, %get3A_402] : memref<4x1024x8xf32, #tpu.memory_space<vmem>>, vector<1x1024x8xf32>
    %get3A_404 = vector.shape_cast %get3A_403 : vector<1x1024x8xf32> to vector<1024x8xf32>
    %dot_general3A_405 = arith.constant dense<0.000000e+00> : vector<8x128xf32>
    %dot_general3A_406 = tpu.matmul %get3A_404, %convert_element_type3A_360, %dot_general3A_405 {dimension_numbers = #tpu.dot_dimension_numbers<[0], [0], [1], [1], [0, 1, 1, 1], [], []>, transpose_lhs_hint = false} : vector<1024x8xf32>, vector<1024x128xf32>, vector<8x128xf32> -> vector<8x128xf32>
    %swap3A_407 = arith.constant 3 : index
    %swap3A_408 = arith.constant 0 : index
    %swap3A_409 = arith.constant 768 : index
    %swap3A_410 = vector.load %arg3[%swap3A_407, %swap3A_408, %swap3A_409] : memref<4x8x1024xf32, #tpu.memory_space<vmem>>, vector<1x8x128xf32>
    %swap3A_411 = vector.shape_cast %swap3A_410 : vector<1x8x128xf32> to vector<8x128xf32>
    %swap3A_412 = vector.shape_cast %dot_general3A_406 : vector<8x128xf32> to vector<1x8x128xf32>
    tpu.vector_store %arg3[%swap3A_407, %swap3A_408, %swap3A_409], %swap3A_412 {strides = array<i32>} : memref<4x8x1024xf32, #tpu.memory_space<vmem>>, vector<1x8x128xf32>,
    %iota3A_413 = tpu.iota {dimensions = array<i32: 0>} : vector<1024x128xi32>
    %iota3A_414 = tpu.iota {dimensions = array<i32: 1>} : vector<1024x128xi32>
    %add3A_415 = arith.constant 896 : i32
    %add3A_416 = vector.broadcast %add3A_415 : i32 to vector<1024x128xi32>
    %add3A_417 = arith.addi %iota3A_414, %add3A_416 : vector<1024x128xi32>
    %eq3A_418 = arith.cmpi eq, %iota3A_413, %add3A_417 : vector<1024x128xi32>
    %convert_element_type3A_419 = arith.extui %eq3A_418 : vector<1024x128xi1> to vector<1024x128xi32>
    %convert_element_type3A_420 = arith.sitofp %convert_element_type3A_419 : vector<1024x128xi32> to vector<1024x128xf32>
    %get3A_421 = arith.constant 0 : index
    %get3A_422 = arith.constant 0 : index
    %get3A_423 = arith.constant 0 : index
    %get3A_424 = vector.load %arg0[%get3A_421, %get3A_422, %get3A_423] : memref<4x1024x8xf32, #tpu.memory_space<vmem>>, vector<1x1024x8xf32>
    %get3A_425 = vector.shape_cast %get3A_424 : vector<1x1024x8xf32> to vector<1024x8xf32>
    %dot_general3A_426 = arith.constant dense<0.000000e+00> : vector<8x128xf32>
    %dot_general3A_427 = tpu.matmul %get3A_425, %convert_element_type3A_420, %dot_general3A_426 {dimension_numbers = #tpu.dot_dimension_numbers<[0], [0], [1], [1], [0, 1, 1, 1], [], []>, transpose_lhs_hint = false} : vector<1024x8xf32>, vector<1024x128xf32>, vector<8x128xf32> -> vector<8x128xf32>
    %swap3A_428 = arith.constant 0 : index
    %swap3A_429 = arith.constant 0 : index
    %swap3A_430 = arith.constant 896 : index
    %swap3A_431 = vector.load %arg3[%swap3A_428, %swap3A_429, %swap3A_430] : memref<4x8x1024xf32, #tpu.memory_space<vmem>>, vector<1x8x128xf32>
    %swap3A_432 = vector.shape_cast %swap3A_431 : vector<1x8x128xf32> to vector<8x128xf32>
    %swap3A_433 = vector.shape_cast %dot_general3A_427 : vector<8x128xf32> to vector<1x8x128xf32>
    tpu.vector_store %arg3[%swap3A_428, %swap3A_429, %swap3A_430], %swap3A_433 {strides = array<i32>} : memref<4x8x1024xf32, #tpu.memory_space<vmem>>, vector<1x8x128xf32>,
    %get3A_434 = arith.constant 1 : index
    %get3A_435 = arith.constant 0 : index
    %get3A_436 = arith.constant 0 : index
    %get3A_437 = vector.load %arg0[%get3A_434, %get3A_435, %get3A_436] : memref<4x1024x8xf32, #tpu.memory_space<vmem>>, vector<1x1024x8xf32>
    %get3A_438 = vector.shape_cast %get3A_437 : vector<1x1024x8xf32> to vector<1024x8xf32>
    %dot_general3A_439 = arith.constant dense<0.000000e+00> : vector<8x128xf32>
    %dot_general3A_440 = tpu.matmul %get3A_438, %convert_element_type3A_420, %dot_general3A_439 {dimension_numbers = #tpu.dot_dimension_numbers<[0], [0], [1], [1], [0, 1, 1, 1], [], []>, transpose_lhs_hint = false} : vector<1024x8xf32>, vector<1024x128xf32>, vector<8x128xf32> -> vector<8x128xf32>
    %swap3A_441 = arith.constant 1 : index
    %swap3A_442 = arith.constant 0 : index
    %swap3A_443 = arith.constant 896 : index
    %swap3A_444 = vector.load %arg3[%swap3A_441, %swap3A_442, %swap3A_443] : memref<4x8x1024xf32, #tpu.memory_space<vmem>>, vector<1x8x128xf32>
    %swap3A_445 = vector.shape_cast %swap3A_444 : vector<1x8x128xf32> to vector<8x128xf32>
    %swap3A_446 = vector.shape_cast %dot_general3A_440 : vector<8x128xf32> to vector<1x8x128xf32>
    tpu.vector_store %arg3[%swap3A_441, %swap3A_442, %swap3A_443], %swap3A_446 {strides = array<i32>} : memref<4x8x1024xf32, #tpu.memory_space<vmem>>, vector<1x8x128xf32>,
    %get3A_447 = arith.constant 2 : index
    %get3A_448 = arith.constant 0 : index
    %get3A_449 = arith.constant 0 : index
    %get3A_450 = vector.load %arg0[%get3A_447, %get3A_448, %get3A_449] : memref<4x1024x8xf32, #tpu.memory_space<vmem>>, vector<1x1024x8xf32>
    %get3A_451 = vector.shape_cast %get3A_450 : vector<1x1024x8xf32> to vector<1024x8xf32>
    %dot_general3A_452 = arith.constant dense<0.000000e+00> : vector<8x128xf32>
    %dot_general3A_453 = tpu.matmul %get3A_451, %convert_element_type3A_420, %dot_general3A_452 {dimension_numbers = #tpu.dot_dimension_numbers<[0], [0], [1], [1], [0, 1, 1, 1], [], []>, transpose_lhs_hint = false} : vector<1024x8xf32>, vector<1024x128xf32>, vector<8x128xf32> -> vector<8x128xf32>
    %swap3A_454 = arith.constant 2 : index
    %swap3A_455 = arith.constant 0 : index
    %swap3A_456 = arith.constant 896 : index
    %swap3A_457 = vector.load %arg3[%swap3A_454, %swap3A_455, %swap3A_456] : memref<4x8x1024xf32, #tpu.memory_space<vmem>>, vector<1x8x128xf32>
    %swap3A_458 = vector.shape_cast %swap3A_457 : vector<1x8x128xf32> to vector<8x128xf32>
    %swap3A_459 = vector.shape_cast %dot_general3A_453 : vector<8x128xf32> to vector<1x8x128xf32>
    tpu.vector_store %arg3[%swap3A_454, %swap3A_455, %swap3A_456], %swap3A_459 {strides = array<i32>} : memref<4x8x1024xf32, #tpu.memory_space<vmem>>, vector<1x8x128xf32>,
    %get3A_460 = arith.constant 3 : index
    %get3A_461 = arith.constant 0 : index
    %get3A_462 = arith.constant 0 : index
    %get3A_463 = vector.load %arg0[%get3A_460, %get3A_461, %get3A_462] : memref<4x1024x8xf32, #tpu.memory_space<vmem>>, vector<1x1024x8xf32>
    %get3A_464 = vector.shape_cast %get3A_463 : vector<1x1024x8xf32> to vector<1024x8xf32>
    %dot_general3A_465 = arith.constant dense<0.000000e+00> : vector<8x128xf32>
    %dot_general3A_466 = tpu.matmul %get3A_464, %convert_element_type3A_420, %dot_general3A_465 {dimension_numbers = #tpu.dot_dimension_numbers<[0], [0], [1], [1], [0, 1, 1, 1], [], []>, transpose_lhs_hint = false} : vector<1024x8xf32>, vector<1024x128xf32>, vector<8x128xf32> -> vector<8x128xf32>
    %swap3A_467 = arith.constant 3 : index
    %swap3A_468 = arith.constant 0 : index
    %swap3A_469 = arith.constant 896 : index
    %swap3A_470 = vector.load %arg3[%swap3A_467, %swap3A_468, %swap3A_469] : memref<4x8x1024xf32, #tpu.memory_space<vmem>>, vector<1x8x128xf32>
    %swap3A_471 = vector.shape_cast %swap3A_470 : vector<1x8x128xf32> to vector<8x128xf32>
    %swap3A_472 = vector.shape_cast %dot_general3A_466 : vector<8x128xf32> to vector<1x8x128xf32>
    tpu.vector_store %arg3[%swap3A_467, %swap3A_468, %swap3A_469], %swap3A_472 {strides = array<i32>} : memref<4x8x1024xf32, #tpu.memory_space<vmem>>, vector<1x8x128xf32>,
    %get3A_473 = arith.constant 0 : index
    %get3A_474 = arith.constant 0 : index
    %get3A_475 = arith.constant 0 : index
    %get3A_476 = vector.load %arg3[%get3A_473, %get3A_474, %get3A_475] : memref<4x8x1024xf32, #tpu.memory_space<vmem>>, vector<1x8x1024xf32>
    %get3A_477 = vector.shape_cast %get3A_476 : vector<1x8x1024xf32> to vector<8x1024xf32>
    %slice3A = vector.extract_strided_slice %get3A_477 {offsets = [5, 0], sizes = [1, 1024], strides = [1, 1]} : vector<8x1024xf32> to vector<1x1024xf32>
    %mul3A = arith.constant 4.096000e+03 : f32
    %mul3A_478 = vector.broadcast %mul3A : f32 to vector<1x1024xf32>
    %mul3A_479 = arith.mulf %slice3A, %mul3A_478 : vector<1x1024xf32>
    %slice3A_480 = vector.extract_strided_slice %get3A_477 {offsets = [0, 0], sizes = [1, 1024], strides = [1, 1]} : vector<8x1024xf32> to vector<1x1024xf32>
    %add3A_481 = arith.addf %slice3A_480, %mul3A_479 : vector<1x1024xf32>
    %slice3A_482 = vector.extract_strided_slice %get3A_477 {offsets = [1, 0], sizes = [1, 1024], strides = [1, 1]} : vector<8x1024xf32> to vector<1x1024xf32>
    %add3A_483 = arith.addf %slice3A_482, %mul3A_479 : vector<1x1024xf32>
    %slice3A_484 = vector.extract_strided_slice %get3A_477 {offsets = [2, 0], sizes = [1, 1024], strides = [1, 1]} : vector<8x1024xf32> to vector<1x1024xf32>
    %add3A_485 = arith.addf %slice3A_484, %mul3A_479 : vector<1x1024xf32>
    %slice3A_486 = vector.extract_strided_slice %get3A_477 {offsets = [3, 0], sizes = [1, 1024], strides = [1, 1]} : vector<8x1024xf32> to vector<1x1024xf32>
    %add3A_487 = arith.addf %slice3A_486, %mul3A_479 : vector<1x1024xf32>
    %sub3A = arith.subf %add3A_485, %add3A_481 : vector<1x1024xf32>
    %sub3A_488 = arith.subf %add3A_487, %add3A_483 : vector<1x1024xf32>
    %mul3A_489 = arith.mulf %sub3A, %sub3A_488 : vector<1x1024xf32>
    %scan3A = arith.constant 0 : i32
    %scan3A_490 = arith.constant 32 : i32
    %scan3A_491 = arith.addi %scan3A, %scan3A_490 : i32
    %scan3A_492 = arith.constant 1 : i32
    scf.for %scan3A_918 = %scan3A to %scan3A_491 step %scan3A_492  : i32 {
      %mul3A_919 = arith.constant 32 : i32
      %mul3A_920 = arith.muli %scan3A_918, %mul3A_919 : i32
      %get3A_921 = arith.constant 0 : index
      %get3A_922 = arith.index_cast %mul3A_920 : i32 to index
      %get3A_923 = arith.constant 0 : index
      %get3A_924 = vector.load %arg0[%get3A_921, %get3A_922, %get3A_923] : memref<4x1024x8xf32, #tpu.memory_space<vmem>>, vector<1x32x8xf32>
      %get3A_925 = vector.shape_cast %get3A_924 : vector<1x32x8xf32> to vector<32x8xf32>
      %slice3A_926 = vector.extract_strided_slice %get3A_925 {offsets = [0, 5], sizes = [32, 1], strides = [1, 1]} : vector<32x8xf32> to vector<32x1xf32>
      %mul3A_927 = arith.constant 4.096000e+03 : f32
      %mul3A_928 = vector.broadcast %mul3A_927 : f32 to vector<32x1xf32>
      %mul3A_929 = arith.mulf %slice3A_926, %mul3A_928 : vector<32x1xf32>
      %slice3A_930 = vector.extract_strided_slice %get3A_925 {offsets = [0, 0], sizes = [32, 1], strides = [1, 1]} : vector<32x8xf32> to vector<32x1xf32>
      %add3A_931 = arith.addf %slice3A_930, %mul3A_929 : vector<32x1xf32>
      %slice3A_932 = vector.extract_strided_slice %get3A_925 {offsets = [0, 1], sizes = [32, 1], strides = [1, 1]} : vector<32x8xf32> to vector<32x1xf32>
      %add3A_933 = arith.addf %slice3A_932, %mul3A_929 : vector<32x1xf32>
      %slice3A_934 = vector.extract_strided_slice %get3A_925 {offsets = [0, 2], sizes = [32, 1], strides = [1, 1]} : vector<32x8xf32> to vector<32x1xf32>
      %add3A_935 = arith.addf %slice3A_934, %mul3A_929 : vector<32x1xf32>
      %slice3A_936 = vector.extract_strided_slice %get3A_925 {offsets = [0, 3], sizes = [32, 1], strides = [1, 1]} : vector<32x8xf32> to vector<32x1xf32>
      %add3A_937 = arith.addf %slice3A_936, %mul3A_929 : vector<32x1xf32>
      %sub3A_938 = arith.subf %add3A_935, %add3A_931 : vector<32x1xf32>
      %sub3A_939 = arith.subf %add3A_937, %add3A_933 : vector<32x1xf32>
      %mul3A_940 = arith.mulf %sub3A_938, %sub3A_939 : vector<32x1xf32>
      %min3A = vector.broadcast %add3A_935 : vector<32x1xf32> to vector<32x1024xf32>
      %min3A_941 = vector.broadcast %add3A_485 : vector<1x1024xf32> to vector<32x1024xf32>
      %min3A_942 = arith.minimumf %min3A, %min3A_941 : vector<32x1024xf32>
      %max3A = vector.broadcast %add3A_931 : vector<32x1xf32> to vector<32x1024xf32>
      %max3A_943 = vector.broadcast %add3A_481 : vector<1x1024xf32> to vector<32x1024xf32>
      %max3A_944 = arith.maximumf %max3A, %max3A_943 : vector<32x1024xf32>
      %sub3A_945 = arith.subf %min3A_942, %max3A_944 : vector<32x1024xf32>
      %jit3A_946 = arith.constant 0.000000e+00 : f32
      %max3A_947 = vector.broadcast %jit3A_946 : f32 to vector<32x1024xf32>
      %max3A_948 = arith.maximumf %max3A_947, %sub3A_945 : vector<32x1024xf32>
      %min3A_949 = vector.broadcast %add3A_937 : vector<32x1xf32> to vector<32x1024xf32>
      %min3A_950 = vector.broadcast %add3A_487 : vector<1x1024xf32> to vector<32x1024xf32>
      %min3A_951 = arith.minimumf %min3A_949, %min3A_950 : vector<32x1024xf32>
      %max3A_952 = vector.broadcast %add3A_933 : vector<32x1xf32> to vector<32x1024xf32>
      %max3A_953 = vector.broadcast %add3A_483 : vector<1x1024xf32> to vector<32x1024xf32>
      %max3A_954 = arith.maximumf %max3A_952, %max3A_953 : vector<32x1024xf32>
      %sub3A_955 = arith.subf %min3A_951, %max3A_954 : vector<32x1024xf32>
      %jit3A_956 = arith.constant 0.000000e+00 : f32
      %max3A_957 = vector.broadcast %jit3A_956 : f32 to vector<32x1024xf32>
      %max3A_958 = arith.maximumf %max3A_957, %sub3A_955 : vector<32x1024xf32>
      %mul3A_959 = arith.mulf %max3A_948, %max3A_958 : vector<32x1024xf32>
      %add3A_960 = vector.broadcast %mul3A_940 : vector<32x1xf32> to vector<32x1024xf32>
      %add3A_961 = vector.broadcast %mul3A_489 : vector<1x1024xf32> to vector<32x1024xf32>
      %add3A_962 = arith.addf %add3A_960, %add3A_961 : vector<32x1024xf32>
      %sub3A_963 = arith.subf %add3A_962, %mul3A_959 : vector<32x1024xf32>
      %add3A_964 = arith.constant 9.99999971E-10 : f32
      %add3A_965 = vector.broadcast %add3A_964 : f32 to vector<32x1024xf32>
      %add3A_966 = arith.addf %sub3A_963, %add3A_965 : vector<32x1024xf32>
      %div3A = arith.divf %mul3A_959, %add3A_966 : vector<32x1024xf32>
      %iota3A_967 = tpu.iota {dimensions = array<i32: 0>} : vector<32x1024xi32>
      %mul3A_968 = arith.constant 32 : i32
      %mul3A_969 = arith.muli %scan3A_918, %mul3A_968 : i32
      %add3A_970 = vector.broadcast %mul3A_969 : i32 to vector<32x1024xi32>
      %add3A_971 = arith.addi %iota3A_967, %add3A_970 : vector<32x1024xi32>
      %iota3A_972 = tpu.iota {dimensions = array<i32: 1>} : vector<32x1024xi32>
      %gt3A_973 = arith.constant 4.500000e-01 : f32
      %gt3A_974 = vector.broadcast %gt3A_973 : f32 to vector<32x1024xf32>
      %gt3A_975 = arith.cmpf ogt, %div3A, %gt3A_974 : vector<32x1024xf32>
      %lt3A = arith.cmpi slt, %iota3A_972, %add3A_971 : vector<32x1024xi32>
      %and3A_976 = arith.andi %gt3A_975, %lt3A : vector<32x1024xi1>
      %convert_element_type3A_977 = arith.extui %and3A_976 : vector<32x1024xi1> to vector<32x1024xi32>
      %convert_element_type3A_978 = arith.sitofp %convert_element_type3A_977 : vector<32x1024xi32> to vector<32x1024xf32>
      %swap3A_979 = arith.index_cast %mul3A_920 : i32 to index
      %swap3A_980 = arith.constant 0 : index
      %swap3A_981 = arith.constant 0 : index
      %swap3A_982 = vector.load %arg2[%swap3A_979, %swap3A_980, %swap3A_981] : memref<1024x4x1024xf32, #tpu.memory_space<vmem>>, vector<32x1x1024xf32>
      %swap3A_983 = vector.shape_cast %swap3A_982 : vector<32x1x1024xf32> to vector<32x1024xf32>
      %swap3A_984 = vector.shape_cast %convert_element_type3A_978 : vector<32x1024xf32> to vector<32x1x1024xf32>
      tpu.vector_store %arg2[%swap3A_979, %swap3A_980, %swap3A_981], %swap3A_984 {strides = array<i32>} : memref<1024x4x1024xf32, #tpu.memory_space<vmem>>, vector<32x1x1024xf32>,
    }
    %scan3A_493 = arith.constant 32 : i32
    %get3A_494 = arith.constant 1 : index
    %get3A_495 = arith.constant 0 : index
    %get3A_496 = arith.constant 0 : index
    %get3A_497 = vector.load %arg3[%get3A_494, %get3A_495, %get3A_496] : memref<4x8x1024xf32, #tpu.memory_space<vmem>>, vector<1x8x1024xf32>
    %get3A_498 = vector.shape_cast %get3A_497 : vector<1x8x1024xf32> to vector<8x1024xf32>
    %slice3A_499 = vector.extract_strided_slice %get3A_498 {offsets = [5, 0], sizes = [1, 1024], strides = [1, 1]} : vector<8x1024xf32> to vector<1x1024xf32>
    %mul3A_500 = arith.constant 4.096000e+03 : f32
    %mul3A_501 = vector.broadcast %mul3A_500 : f32 to vector<1x1024xf32>
    %mul3A_502 = arith.mulf %slice3A_499, %mul3A_501 : vector<1x1024xf32>
    %slice3A_503 = vector.extract_strided_slice %get3A_498 {offsets = [0, 0], sizes = [1, 1024], strides = [1, 1]} : vector<8x1024xf32> to vector<1x1024xf32>
    %add3A_504 = arith.addf %slice3A_503, %mul3A_502 : vector<1x1024xf32>
    %slice3A_505 = vector.extract_strided_slice %get3A_498 {offsets = [1, 0], sizes = [1, 1024], strides = [1, 1]} : vector<8x1024xf32> to vector<1x1024xf32>
    %add3A_506 = arith.addf %slice3A_505, %mul3A_502 : vector<1x1024xf32>
    %slice3A_507 = vector.extract_strided_slice %get3A_498 {offsets = [2, 0], sizes = [1, 1024], strides = [1, 1]} : vector<8x1024xf32> to vector<1x1024xf32>
    %add3A_508 = arith.addf %slice3A_507, %mul3A_502 : vector<1x1024xf32>
    %slice3A_509 = vector.extract_strided_slice %get3A_498 {offsets = [3, 0], sizes = [1, 1024], strides = [1, 1]} : vector<8x1024xf32> to vector<1x1024xf32>
    %add3A_510 = arith.addf %slice3A_509, %mul3A_502 : vector<1x1024xf32>
    %sub3A_511 = arith.subf %add3A_508, %add3A_504 : vector<1x1024xf32>
    %sub3A_512 = arith.subf %add3A_510, %add3A_506 : vector<1x1024xf32>
    %mul3A_513 = arith.mulf %sub3A_511, %sub3A_512 : vector<1x1024xf32>
    %scan3A_514 = arith.constant 0 : i32
    %scan3A_515 = arith.constant 32 : i32
    %scan3A_516 = arith.addi %scan3A_514, %scan3A_515 : i32
    %scan3A_517 = arith.constant 1 : i32
    scf.for %scan3A_918 = %scan3A_514 to %scan3A_516 step %scan3A_517  : i32 {
      %mul3A_919 = arith.constant 32 : i32
      %mul3A_920 = arith.muli %scan3A_918, %mul3A_919 : i32
      %get3A_921 = arith.constant 1 : index
      %get3A_922 = arith.index_cast %mul3A_920 : i32 to index
      %get3A_923 = arith.constant 0 : index
      %get3A_924 = vector.load %arg0[%get3A_921, %get3A_922, %get3A_923] : memref<4x1024x8xf32, #tpu.memory_space<vmem>>, vector<1x32x8xf32>
      %get3A_925 = vector.shape_cast %get3A_924 : vector<1x32x8xf32> to vector<32x8xf32>
      %slice3A_926 = vector.extract_strided_slice %get3A_925 {offsets = [0, 5], sizes = [32, 1], strides = [1, 1]} : vector<32x8xf32> to vector<32x1xf32>
      %mul3A_927 = arith.constant 4.096000e+03 : f32
      %mul3A_928 = vector.broadcast %mul3A_927 : f32 to vector<32x1xf32>
      %mul3A_929 = arith.mulf %slice3A_926, %mul3A_928 : vector<32x1xf32>
      %slice3A_930 = vector.extract_strided_slice %get3A_925 {offsets = [0, 0], sizes = [32, 1], strides = [1, 1]} : vector<32x8xf32> to vector<32x1xf32>
      %add3A_931 = arith.addf %slice3A_930, %mul3A_929 : vector<32x1xf32>
      %slice3A_932 = vector.extract_strided_slice %get3A_925 {offsets = [0, 1], sizes = [32, 1], strides = [1, 1]} : vector<32x8xf32> to vector<32x1xf32>
      %add3A_933 = arith.addf %slice3A_932, %mul3A_929 : vector<32x1xf32>
      %slice3A_934 = vector.extract_strided_slice %get3A_925 {offsets = [0, 2], sizes = [32, 1], strides = [1, 1]} : vector<32x8xf32> to vector<32x1xf32>
      %add3A_935 = arith.addf %slice3A_934, %mul3A_929 : vector<32x1xf32>
      %slice3A_936 = vector.extract_strided_slice %get3A_925 {offsets = [0, 3], sizes = [32, 1], strides = [1, 1]} : vector<32x8xf32> to vector<32x1xf32>
      %add3A_937 = arith.addf %slice3A_936, %mul3A_929 : vector<32x1xf32>
      %sub3A_938 = arith.subf %add3A_935, %add3A_931 : vector<32x1xf32>
      %sub3A_939 = arith.subf %add3A_937, %add3A_933 : vector<32x1xf32>
      %mul3A_940 = arith.mulf %sub3A_938, %sub3A_939 : vector<32x1xf32>
      %min3A = vector.broadcast %add3A_935 : vector<32x1xf32> to vector<32x1024xf32>
      %min3A_941 = vector.broadcast %add3A_508 : vector<1x1024xf32> to vector<32x1024xf32>
      %min3A_942 = arith.minimumf %min3A, %min3A_941 : vector<32x1024xf32>
      %max3A = vector.broadcast %add3A_931 : vector<32x1xf32> to vector<32x1024xf32>
      %max3A_943 = vector.broadcast %add3A_504 : vector<1x1024xf32> to vector<32x1024xf32>
      %max3A_944 = arith.maximumf %max3A, %max3A_943 : vector<32x1024xf32>
      %sub3A_945 = arith.subf %min3A_942, %max3A_944 : vector<32x1024xf32>
      %jit3A_946 = arith.constant 0.000000e+00 : f32
      %max3A_947 = vector.broadcast %jit3A_946 : f32 to vector<32x1024xf32>
      %max3A_948 = arith.maximumf %max3A_947, %sub3A_945 : vector<32x1024xf32>
      %min3A_949 = vector.broadcast %add3A_937 : vector<32x1xf32> to vector<32x1024xf32>
      %min3A_950 = vector.broadcast %add3A_510 : vector<1x1024xf32> to vector<32x1024xf32>
      %min3A_951 = arith.minimumf %min3A_949, %min3A_950 : vector<32x1024xf32>
      %max3A_952 = vector.broadcast %add3A_933 : vector<32x1xf32> to vector<32x1024xf32>
      %max3A_953 = vector.broadcast %add3A_506 : vector<1x1024xf32> to vector<32x1024xf32>
      %max3A_954 = arith.maximumf %max3A_952, %max3A_953 : vector<32x1024xf32>
      %sub3A_955 = arith.subf %min3A_951, %max3A_954 : vector<32x1024xf32>
      %jit3A_956 = arith.constant 0.000000e+00 : f32
      %max3A_957 = vector.broadcast %jit3A_956 : f32 to vector<32x1024xf32>
      %max3A_958 = arith.maximumf %max3A_957, %sub3A_955 : vector<32x1024xf32>
      %mul3A_959 = arith.mulf %max3A_948, %max3A_958 : vector<32x1024xf32>
      %add3A_960 = vector.broadcast %mul3A_940 : vector<32x1xf32> to vector<32x1024xf32>
      %add3A_961 = vector.broadcast %mul3A_513 : vector<1x1024xf32> to vector<32x1024xf32>
      %add3A_962 = arith.addf %add3A_960, %add3A_961 : vector<32x1024xf32>
      %sub3A_963 = arith.subf %add3A_962, %mul3A_959 : vector<32x1024xf32>
      %add3A_964 = arith.constant 9.99999971E-10 : f32
      %add3A_965 = vector.broadcast %add3A_964 : f32 to vector<32x1024xf32>
      %add3A_966 = arith.addf %sub3A_963, %add3A_965 : vector<32x1024xf32>
      %div3A = arith.divf %mul3A_959, %add3A_966 : vector<32x1024xf32>
      %iota3A_967 = tpu.iota {dimensions = array<i32: 0>} : vector<32x1024xi32>
      %mul3A_968 = arith.constant 32 : i32
      %mul3A_969 = arith.muli %scan3A_918, %mul3A_968 : i32
      %add3A_970 = vector.broadcast %mul3A_969 : i32 to vector<32x1024xi32>
      %add3A_971 = arith.addi %iota3A_967, %add3A_970 : vector<32x1024xi32>
      %iota3A_972 = tpu.iota {dimensions = array<i32: 1>} : vector<32x1024xi32>
      %gt3A_973 = arith.constant 4.500000e-01 : f32
      %gt3A_974 = vector.broadcast %gt3A_973 : f32 to vector<32x1024xf32>
      %gt3A_975 = arith.cmpf ogt, %div3A, %gt3A_974 : vector<32x1024xf32>
      %lt3A = arith.cmpi slt, %iota3A_972, %add3A_971 : vector<32x1024xi32>
      %and3A_976 = arith.andi %gt3A_975, %lt3A : vector<32x1024xi1>
      %convert_element_type3A_977 = arith.extui %and3A_976 : vector<32x1024xi1> to vector<32x1024xi32>
      %convert_element_type3A_978 = arith.sitofp %convert_element_type3A_977 : vector<32x1024xi32> to vector<32x1024xf32>
      %swap3A_979 = arith.index_cast %mul3A_920 : i32 to index
      %swap3A_980 = arith.constant 1 : index
      %swap3A_981 = arith.constant 0 : index
      %swap3A_982 = vector.load %arg2[%swap3A_979, %swap3A_980, %swap3A_981] : memref<1024x4x1024xf32, #tpu.memory_space<vmem>>, vector<32x1x1024xf32>
      %swap3A_983 = vector.shape_cast %swap3A_982 : vector<32x1x1024xf32> to vector<32x1024xf32>
      %swap3A_984 = vector.shape_cast %convert_element_type3A_978 : vector<32x1024xf32> to vector<32x1x1024xf32>
      tpu.vector_store %arg2[%swap3A_979, %swap3A_980, %swap3A_981], %swap3A_984 {strides = array<i32>} : memref<1024x4x1024xf32, #tpu.memory_space<vmem>>, vector<32x1x1024xf32>,
    }
    %scan3A_518 = arith.constant 32 : i32
    %get3A_519 = arith.constant 2 : index
    %get3A_520 = arith.constant 0 : index
    %get3A_521 = arith.constant 0 : index
    %get3A_522 = vector.load %arg3[%get3A_519, %get3A_520, %get3A_521] : memref<4x8x1024xf32, #tpu.memory_space<vmem>>, vector<1x8x1024xf32>
    %get3A_523 = vector.shape_cast %get3A_522 : vector<1x8x1024xf32> to vector<8x1024xf32>
    %slice3A_524 = vector.extract_strided_slice %get3A_523 {offsets = [5, 0], sizes = [1, 1024], strides = [1, 1]} : vector<8x1024xf32> to vector<1x1024xf32>
    %mul3A_525 = arith.constant 4.096000e+03 : f32
    %mul3A_526 = vector.broadcast %mul3A_525 : f32 to vector<1x1024xf32>
    %mul3A_527 = arith.mulf %slice3A_524, %mul3A_526 : vector<1x1024xf32>
    %slice3A_528 = vector.extract_strided_slice %get3A_523 {offsets = [0, 0], sizes = [1, 1024], strides = [1, 1]} : vector<8x1024xf32> to vector<1x1024xf32>
    %add3A_529 = arith.addf %slice3A_528, %mul3A_527 : vector<1x1024xf32>
    %slice3A_530 = vector.extract_strided_slice %get3A_523 {offsets = [1, 0], sizes = [1, 1024], strides = [1, 1]} : vector<8x1024xf32> to vector<1x1024xf32>
    %add3A_531 = arith.addf %slice3A_530, %mul3A_527 : vector<1x1024xf32>
    %slice3A_532 = vector.extract_strided_slice %get3A_523 {offsets = [2, 0], sizes = [1, 1024], strides = [1, 1]} : vector<8x1024xf32> to vector<1x1024xf32>
    %add3A_533 = arith.addf %slice3A_532, %mul3A_527 : vector<1x1024xf32>
    %slice3A_534 = vector.extract_strided_slice %get3A_523 {offsets = [3, 0], sizes = [1, 1024], strides = [1, 1]} : vector<8x1024xf32> to vector<1x1024xf32>
    %add3A_535 = arith.addf %slice3A_534, %mul3A_527 : vector<1x1024xf32>
    %sub3A_536 = arith.subf %add3A_533, %add3A_529 : vector<1x1024xf32>
    %sub3A_537 = arith.subf %add3A_535, %add3A_531 : vector<1x1024xf32>
    %mul3A_538 = arith.mulf %sub3A_536, %sub3A_537 : vector<1x1024xf32>
    %scan3A_539 = arith.constant 0 : i32
    %scan3A_540 = arith.constant 32 : i32
    %scan3A_541 = arith.addi %scan3A_539, %scan3A_540 : i32
    %scan3A_542 = arith.constant 1 : i32
    scf.for %scan3A_918 = %scan3A_539 to %scan3A_541 step %scan3A_542  : i32 {
      %mul3A_919 = arith.constant 32 : i32
      %mul3A_920 = arith.muli %scan3A_918, %mul3A_919 : i32
      %get3A_921 = arith.constant 2 : index
      %get3A_922 = arith.index_cast %mul3A_920 : i32 to index
      %get3A_923 = arith.constant 0 : index
      %get3A_924 = vector.load %arg0[%get3A_921, %get3A_922, %get3A_923] : memref<4x1024x8xf32, #tpu.memory_space<vmem>>, vector<1x32x8xf32>
      %get3A_925 = vector.shape_cast %get3A_924 : vector<1x32x8xf32> to vector<32x8xf32>
      %slice3A_926 = vector.extract_strided_slice %get3A_925 {offsets = [0, 5], sizes = [32, 1], strides = [1, 1]} : vector<32x8xf32> to vector<32x1xf32>
      %mul3A_927 = arith.constant 4.096000e+03 : f32
      %mul3A_928 = vector.broadcast %mul3A_927 : f32 to vector<32x1xf32>
      %mul3A_929 = arith.mulf %slice3A_926, %mul3A_928 : vector<32x1xf32>
      %slice3A_930 = vector.extract_strided_slice %get3A_925 {offsets = [0, 0], sizes = [32, 1], strides = [1, 1]} : vector<32x8xf32> to vector<32x1xf32>
      %add3A_931 = arith.addf %slice3A_930, %mul3A_929 : vector<32x1xf32>
      %slice3A_932 = vector.extract_strided_slice %get3A_925 {offsets = [0, 1], sizes = [32, 1], strides = [1, 1]} : vector<32x8xf32> to vector<32x1xf32>
      %add3A_933 = arith.addf %slice3A_932, %mul3A_929 : vector<32x1xf32>
      %slice3A_934 = vector.extract_strided_slice %get3A_925 {offsets = [0, 2], sizes = [32, 1], strides = [1, 1]} : vector<32x8xf32> to vector<32x1xf32>
      %add3A_935 = arith.addf %slice3A_934, %mul3A_929 : vector<32x1xf32>
      %slice3A_936 = vector.extract_strided_slice %get3A_925 {offsets = [0, 3], sizes = [32, 1], strides = [1, 1]} : vector<32x8xf32> to vector<32x1xf32>
      %add3A_937 = arith.addf %slice3A_936, %mul3A_929 : vector<32x1xf32>
      %sub3A_938 = arith.subf %add3A_935, %add3A_931 : vector<32x1xf32>
      %sub3A_939 = arith.subf %add3A_937, %add3A_933 : vector<32x1xf32>
      %mul3A_940 = arith.mulf %sub3A_938, %sub3A_939 : vector<32x1xf32>
      %min3A = vector.broadcast %add3A_935 : vector<32x1xf32> to vector<32x1024xf32>
      %min3A_941 = vector.broadcast %add3A_533 : vector<1x1024xf32> to vector<32x1024xf32>
      %min3A_942 = arith.minimumf %min3A, %min3A_941 : vector<32x1024xf32>
      %max3A = vector.broadcast %add3A_931 : vector<32x1xf32> to vector<32x1024xf32>
      %max3A_943 = vector.broadcast %add3A_529 : vector<1x1024xf32> to vector<32x1024xf32>
      %max3A_944 = arith.maximumf %max3A, %max3A_943 : vector<32x1024xf32>
      %sub3A_945 = arith.subf %min3A_942, %max3A_944 : vector<32x1024xf32>
      %jit3A_946 = arith.constant 0.000000e+00 : f32
      %max3A_947 = vector.broadcast %jit3A_946 : f32 to vector<32x1024xf32>
      %max3A_948 = arith.maximumf %max3A_947, %sub3A_945 : vector<32x1024xf32>
      %min3A_949 = vector.broadcast %add3A_937 : vector<32x1xf32> to vector<32x1024xf32>
      %min3A_950 = vector.broadcast %add3A_535 : vector<1x1024xf32> to vector<32x1024xf32>
      %min3A_951 = arith.minimumf %min3A_949, %min3A_950 : vector<32x1024xf32>
      %max3A_952 = vector.broadcast %add3A_933 : vector<32x1xf32> to vector<32x1024xf32>
      %max3A_953 = vector.broadcast %add3A_531 : vector<1x1024xf32> to vector<32x1024xf32>
      %max3A_954 = arith.maximumf %max3A_952, %max3A_953 : vector<32x1024xf32>
      %sub3A_955 = arith.subf %min3A_951, %max3A_954 : vector<32x1024xf32>
      %jit3A_956 = arith.constant 0.000000e+00 : f32
      %max3A_957 = vector.broadcast %jit3A_956 : f32 to vector<32x1024xf32>
      %max3A_958 = arith.maximumf %max3A_957, %sub3A_955 : vector<32x1024xf32>
      %mul3A_959 = arith.mulf %max3A_948, %max3A_958 : vector<32x1024xf32>
      %add3A_960 = vector.broadcast %mul3A_940 : vector<32x1xf32> to vector<32x1024xf32>
      %add3A_961 = vector.broadcast %mul3A_538 : vector<1x1024xf32> to vector<32x1024xf32>
      %add3A_962 = arith.addf %add3A_960, %add3A_961 : vector<32x1024xf32>
      %sub3A_963 = arith.subf %add3A_962, %mul3A_959 : vector<32x1024xf32>
      %add3A_964 = arith.constant 9.99999971E-10 : f32
      %add3A_965 = vector.broadcast %add3A_964 : f32 to vector<32x1024xf32>
      %add3A_966 = arith.addf %sub3A_963, %add3A_965 : vector<32x1024xf32>
      %div3A = arith.divf %mul3A_959, %add3A_966 : vector<32x1024xf32>
      %iota3A_967 = tpu.iota {dimensions = array<i32: 0>} : vector<32x1024xi32>
      %mul3A_968 = arith.constant 32 : i32
      %mul3A_969 = arith.muli %scan3A_918, %mul3A_968 : i32
      %add3A_970 = vector.broadcast %mul3A_969 : i32 to vector<32x1024xi32>
      %add3A_971 = arith.addi %iota3A_967, %add3A_970 : vector<32x1024xi32>
      %iota3A_972 = tpu.iota {dimensions = array<i32: 1>} : vector<32x1024xi32>
      %gt3A_973 = arith.constant 4.500000e-01 : f32
      %gt3A_974 = vector.broadcast %gt3A_973 : f32 to vector<32x1024xf32>
      %gt3A_975 = arith.cmpf ogt, %div3A, %gt3A_974 : vector<32x1024xf32>
      %lt3A = arith.cmpi slt, %iota3A_972, %add3A_971 : vector<32x1024xi32>
      %and3A_976 = arith.andi %gt3A_975, %lt3A : vector<32x1024xi1>
      %convert_element_type3A_977 = arith.extui %and3A_976 : vector<32x1024xi1> to vector<32x1024xi32>
      %convert_element_type3A_978 = arith.sitofp %convert_element_type3A_977 : vector<32x1024xi32> to vector<32x1024xf32>
      %swap3A_979 = arith.index_cast %mul3A_920 : i32 to index
      %swap3A_980 = arith.constant 2 : index
      %swap3A_981 = arith.constant 0 : index
      %swap3A_982 = vector.load %arg2[%swap3A_979, %swap3A_980, %swap3A_981] : memref<1024x4x1024xf32, #tpu.memory_space<vmem>>, vector<32x1x1024xf32>
      %swap3A_983 = vector.shape_cast %swap3A_982 : vector<32x1x1024xf32> to vector<32x1024xf32>
      %swap3A_984 = vector.shape_cast %convert_element_type3A_978 : vector<32x1024xf32> to vector<32x1x1024xf32>
      tpu.vector_store %arg2[%swap3A_979, %swap3A_980, %swap3A_981], %swap3A_984 {strides = array<i32>} : memref<1024x4x1024xf32, #tpu.memory_space<vmem>>, vector<32x1x1024xf32>,
    }
    %scan3A_543 = arith.constant 32 : i32
    %get3A_544 = arith.constant 3 : index
    %get3A_545 = arith.constant 0 : index
    %get3A_546 = arith.constant 0 : index
    %get3A_547 = vector.load %arg3[%get3A_544, %get3A_545, %get3A_546] : memref<4x8x1024xf32, #tpu.memory_space<vmem>>, vector<1x8x1024xf32>
    %get3A_548 = vector.shape_cast %get3A_547 : vector<1x8x1024xf32> to vector<8x1024xf32>
    %slice3A_549 = vector.extract_strided_slice %get3A_548 {offsets = [5, 0], sizes = [1, 1024], strides = [1, 1]} : vector<8x1024xf32> to vector<1x1024xf32>
    %mul3A_550 = arith.constant 4.096000e+03 : f32
    %mul3A_551 = vector.broadcast %mul3A_550 : f32 to vector<1x1024xf32>
    %mul3A_552 = arith.mulf %slice3A_549, %mul3A_551 : vector<1x1024xf32>
    %slice3A_553 = vector.extract_strided_slice %get3A_548 {offsets = [0, 0], sizes = [1, 1024], strides = [1, 1]} : vector<8x1024xf32> to vector<1x1024xf32>
    %add3A_554 = arith.addf %slice3A_553, %mul3A_552 : vector<1x1024xf32>
    %slice3A_555 = vector.extract_strided_slice %get3A_548 {offsets = [1, 0], sizes = [1, 1024], strides = [1, 1]} : vector<8x1024xf32> to vector<1x1024xf32>
    %add3A_556 = arith.addf %slice3A_555, %mul3A_552 : vector<1x1024xf32>
    %slice3A_557 = vector.extract_strided_slice %get3A_548 {offsets = [2, 0], sizes = [1, 1024], strides = [1, 1]} : vector<8x1024xf32> to vector<1x1024xf32>
    %add3A_558 = arith.addf %slice3A_557, %mul3A_552 : vector<1x1024xf32>
    %slice3A_559 = vector.extract_strided_slice %get3A_548 {offsets = [3, 0], sizes = [1, 1024], strides = [1, 1]} : vector<8x1024xf32> to vector<1x1024xf32>
    %add3A_560 = arith.addf %slice3A_559, %mul3A_552 : vector<1x1024xf32>
    %sub3A_561 = arith.subf %add3A_558, %add3A_554 : vector<1x1024xf32>
    %sub3A_562 = arith.subf %add3A_560, %add3A_556 : vector<1x1024xf32>
    %mul3A_563 = arith.mulf %sub3A_561, %sub3A_562 : vector<1x1024xf32>
    %scan3A_564 = arith.constant 0 : i32
    %scan3A_565 = arith.constant 32 : i32
    %scan3A_566 = arith.addi %scan3A_564, %scan3A_565 : i32
    %scan3A_567 = arith.constant 1 : i32
    scf.for %scan3A_918 = %scan3A_564 to %scan3A_566 step %scan3A_567  : i32 {
      %mul3A_919 = arith.constant 32 : i32
      %mul3A_920 = arith.muli %scan3A_918, %mul3A_919 : i32
      %get3A_921 = arith.constant 3 : index
      %get3A_922 = arith.index_cast %mul3A_920 : i32 to index
      %get3A_923 = arith.constant 0 : index
      %get3A_924 = vector.load %arg0[%get3A_921, %get3A_922, %get3A_923] : memref<4x1024x8xf32, #tpu.memory_space<vmem>>, vector<1x32x8xf32>
      %get3A_925 = vector.shape_cast %get3A_924 : vector<1x32x8xf32> to vector<32x8xf32>
      %slice3A_926 = vector.extract_strided_slice %get3A_925 {offsets = [0, 5], sizes = [32, 1], strides = [1, 1]} : vector<32x8xf32> to vector<32x1xf32>
      %mul3A_927 = arith.constant 4.096000e+03 : f32
      %mul3A_928 = vector.broadcast %mul3A_927 : f32 to vector<32x1xf32>
      %mul3A_929 = arith.mulf %slice3A_926, %mul3A_928 : vector<32x1xf32>
      %slice3A_930 = vector.extract_strided_slice %get3A_925 {offsets = [0, 0], sizes = [32, 1], strides = [1, 1]} : vector<32x8xf32> to vector<32x1xf32>
      %add3A_931 = arith.addf %slice3A_930, %mul3A_929 : vector<32x1xf32>
      %slice3A_932 = vector.extract_strided_slice %get3A_925 {offsets = [0, 1], sizes = [32, 1], strides = [1, 1]} : vector<32x8xf32> to vector<32x1xf32>
      %add3A_933 = arith.addf %slice3A_932, %mul3A_929 : vector<32x1xf32>
      %slice3A_934 = vector.extract_strided_slice %get3A_925 {offsets = [0, 2], sizes = [32, 1], strides = [1, 1]} : vector<32x8xf32> to vector<32x1xf32>
      %add3A_935 = arith.addf %slice3A_934, %mul3A_929 : vector<32x1xf32>
      %slice3A_936 = vector.extract_strided_slice %get3A_925 {offsets = [0, 3], sizes = [32, 1], strides = [1, 1]} : vector<32x8xf32> to vector<32x1xf32>
      %add3A_937 = arith.addf %slice3A_936, %mul3A_929 : vector<32x1xf32>
      %sub3A_938 = arith.subf %add3A_935, %add3A_931 : vector<32x1xf32>
      %sub3A_939 = arith.subf %add3A_937, %add3A_933 : vector<32x1xf32>
      %mul3A_940 = arith.mulf %sub3A_938, %sub3A_939 : vector<32x1xf32>
      %min3A = vector.broadcast %add3A_935 : vector<32x1xf32> to vector<32x1024xf32>
      %min3A_941 = vector.broadcast %add3A_558 : vector<1x1024xf32> to vector<32x1024xf32>
      %min3A_942 = arith.minimumf %min3A, %min3A_941 : vector<32x1024xf32>
      %max3A = vector.broadcast %add3A_931 : vector<32x1xf32> to vector<32x1024xf32>
      %max3A_943 = vector.broadcast %add3A_554 : vector<1x1024xf32> to vector<32x1024xf32>
      %max3A_944 = arith.maximumf %max3A, %max3A_943 : vector<32x1024xf32>
      %sub3A_945 = arith.subf %min3A_942, %max3A_944 : vector<32x1024xf32>
      %jit3A_946 = arith.constant 0.000000e+00 : f32
      %max3A_947 = vector.broadcast %jit3A_946 : f32 to vector<32x1024xf32>
      %max3A_948 = arith.maximumf %max3A_947, %sub3A_945 : vector<32x1024xf32>
      %min3A_949 = vector.broadcast %add3A_937 : vector<32x1xf32> to vector<32x1024xf32>
      %min3A_950 = vector.broadcast %add3A_560 : vector<1x1024xf32> to vector<32x1024xf32>
      %min3A_951 = arith.minimumf %min3A_949, %min3A_950 : vector<32x1024xf32>
      %max3A_952 = vector.broadcast %add3A_933 : vector<32x1xf32> to vector<32x1024xf32>
      %max3A_953 = vector.broadcast %add3A_556 : vector<1x1024xf32> to vector<32x1024xf32>
      %max3A_954 = arith.maximumf %max3A_952, %max3A_953 : vector<32x1024xf32>
      %sub3A_955 = arith.subf %min3A_951, %max3A_954 : vector<32x1024xf32>
      %jit3A_956 = arith.constant 0.000000e+00 : f32
      %max3A_957 = vector.broadcast %jit3A_956 : f32 to vector<32x1024xf32>
      %max3A_958 = arith.maximumf %max3A_957, %sub3A_955 : vector<32x1024xf32>
      %mul3A_959 = arith.mulf %max3A_948, %max3A_958 : vector<32x1024xf32>
      %add3A_960 = vector.broadcast %mul3A_940 : vector<32x1xf32> to vector<32x1024xf32>
      %add3A_961 = vector.broadcast %mul3A_563 : vector<1x1024xf32> to vector<32x1024xf32>
      %add3A_962 = arith.addf %add3A_960, %add3A_961 : vector<32x1024xf32>
      %sub3A_963 = arith.subf %add3A_962, %mul3A_959 : vector<32x1024xf32>
      %add3A_964 = arith.constant 9.99999971E-10 : f32
      %add3A_965 = vector.broadcast %add3A_964 : f32 to vector<32x1024xf32>
      %add3A_966 = arith.addf %sub3A_963, %add3A_965 : vector<32x1024xf32>
      %div3A = arith.divf %mul3A_959, %add3A_966 : vector<32x1024xf32>
      %iota3A_967 = tpu.iota {dimensions = array<i32: 0>} : vector<32x1024xi32>
      %mul3A_968 = arith.constant 32 : i32
      %mul3A_969 = arith.muli %scan3A_918, %mul3A_968 : i32
      %add3A_970 = vector.broadcast %mul3A_969 : i32 to vector<32x1024xi32>
      %add3A_971 = arith.addi %iota3A_967, %add3A_970 : vector<32x1024xi32>
      %iota3A_972 = tpu.iota {dimensions = array<i32: 1>} : vector<32x1024xi32>
      %gt3A_973 = arith.constant 4.500000e-01 : f32
      %gt3A_974 = vector.broadcast %gt3A_973 : f32 to vector<32x1024xf32>
      %gt3A_975 = arith.cmpf ogt, %div3A, %gt3A_974 : vector<32x1024xf32>
      %lt3A = arith.cmpi slt, %iota3A_972, %add3A_971 : vector<32x1024xi32>
      %and3A_976 = arith.andi %gt3A_975, %lt3A : vector<32x1024xi1>
      %convert_element_type3A_977 = arith.extui %and3A_976 : vector<32x1024xi1> to vector<32x1024xi32>
      %convert_element_type3A_978 = arith.sitofp %convert_element_type3A_977 : vector<32x1024xi32> to vector<32x1024xf32>
      %swap3A_979 = arith.index_cast %mul3A_920 : i32 to index
      %swap3A_980 = arith.constant 3 : index
      %swap3A_981 = arith.constant 0 : index
      %swap3A_982 = vector.load %arg2[%swap3A_979, %swap3A_980, %swap3A_981] : memref<1024x4x1024xf32, #tpu.memory_space<vmem>>, vector<32x1x1024xf32>
      %swap3A_983 = vector.shape_cast %swap3A_982 : vector<32x1x1024xf32> to vector<32x1024xf32>
      %swap3A_984 = vector.shape_cast %convert_element_type3A_978 : vector<32x1024xf32> to vector<32x1x1024xf32>
      tpu.vector_store %arg2[%swap3A_979, %swap3A_980, %swap3A_981], %swap3A_984 {strides = array<i32>} : memref<1024x4x1024xf32, #tpu.memory_space<vmem>>, vector<32x1x1024xf32>,
    }
    %scan3A_568 = arith.constant 32 : i32
    %iota3A_569 = tpu.iota {dimensions = array<i32: 1>} : vector<4x1024xi32>
    %get3A_570 = arith.constant 0 : index
    %get3A_571 = arith.constant 4 : index
    %get3A_572 = arith.constant 0 : index
    %get3A_573 = vector.load %arg3[%get3A_570, %get3A_571, %get3A_572] : memref<4x8x1024xf32, #tpu.memory_space<vmem>>, vector<1x1x1024xf32>
    %get3A_574 = vector.shape_cast %get3A_573 : vector<1x1x1024xf32> to vector<1x1024xf32>
    %get3A_575 = arith.constant 1 : index
    %get3A_576 = arith.constant 4 : index
    %get3A_577 = arith.constant 0 : index
    %get3A_578 = vector.load %arg3[%get3A_575, %get3A_576, %get3A_577] : memref<4x8x1024xf32, #tpu.memory_space<vmem>>, vector<1x1x1024xf32>
    %get3A_579 = vector.shape_cast %get3A_578 : vector<1x1x1024xf32> to vector<1x1024xf32>
    %get3A_580 = arith.constant 2 : index
    %get3A_581 = arith.constant 4 : index
    %get3A_582 = arith.constant 0 : index
    %get3A_583 = vector.load %arg3[%get3A_580, %get3A_581, %get3A_582] : memref<4x8x1024xf32, #tpu.memory_space<vmem>>, vector<1x1x1024xf32>
    %get3A_584 = vector.shape_cast %get3A_583 : vector<1x1x1024xf32> to vector<1x1024xf32>
    %get3A_585 = arith.constant 3 : index
    %get3A_586 = arith.constant 4 : index
    %get3A_587 = arith.constant 0 : index
    %get3A_588 = vector.load %arg3[%get3A_585, %get3A_586, %get3A_587] : memref<4x8x1024xf32, #tpu.memory_space<vmem>>, vector<1x1x1024xf32>
    %get3A_589 = vector.shape_cast %get3A_588 : vector<1x1x1024xf32> to vector<1x1024xf32>
    %concatenate3A = tpu.concatenate %get3A_574, %get3A_579, %get3A_584, %get3A_589 in 0 : vector<1x1024xf32>, vector<1x1024xf32>, vector<1x1024xf32>, vector<1x1024xf32> -> vector<4x1024xf32>
    %gt3A = arith.constant 2.500000e-01 : f32
    %gt3A_590 = vector.broadcast %gt3A : f32 to vector<4x1024xf32>
    %gt3A_591 = arith.cmpf ogt, %concatenate3A, %gt3A_590 : vector<4x1024xf32>
    %convert_element_type3A_592 = arith.extui %gt3A_591 : vector<4x1024xi1> to vector<4x1024xi32>
    %convert_element_type3A_593 = arith.sitofp %convert_element_type3A_592 : vector<4x1024xi32> to vector<4x1024xf32>
    %scan3A_594 = arith.constant 0 : i32
    %scan3A_595 = arith.constant 1000 : i32
    %scan3A_596 = arith.addi %scan3A_594, %scan3A_595 : i32
    %scan3A_597 = arith.constant 1 : i32
    %scan3A_598 = scf.for %scan3A_918 = %scan3A_594 to %scan3A_596 step %scan3A_597 iter_args(%scan3A_919 = %convert_element_type3A_593) -> (vector<4x1024xf32>)  : i32 {
      %get3A_920 = arith.index_cast %scan3A_918 : i32 to index
      %get3A_921 = arith.constant 0 : index
      %get3A_922 = arith.constant 0 : index
      %get3A_923 = vector.load %arg2[%get3A_920, %get3A_921, %get3A_922] : memref<1024x4x1024xf32, #tpu.memory_space<vmem>>, vector<1x4x1024xf32>
      %squeeze3A = vector.shape_cast %get3A_923 : vector<1x4x1024xf32> to vector<4x1024xf32>
      %mul3A_924 = arith.mulf %squeeze3A, %scan3A_919 : vector<4x1024xf32>
      %reduce_sum3A = arith.constant dense<0.000000e+00> : vector<4xf32>
      %reduce_sum3A_925 = vector.multi_reduction <add>, %mul3A_924, %reduce_sum3A [1] : vector<4x1024xf32> to vector<4xf32>
      %broadcast_in_dim3A_926 = vector.shape_cast %reduce_sum3A_925 : vector<4xf32> to vector<4x1xf32>
      %gt3A_927 = arith.constant 0.000000e+00 : f32
      %gt3A_928 = vector.broadcast %gt3A_927 : f32 to vector<4x1xf32>
      %gt3A_929 = arith.cmpf ogt, %broadcast_in_dim3A_926, %gt3A_928 : vector<4x1xf32>
      %jit3A_930 = arith.constant 0.000000e+00 : f32
      %jit3A_931 = arith.constant 1.000000e+00 : f32
      %broadcast_in_dim3A_932 = vector.broadcast %jit3A_930 : f32 to vector<4x1xf32>
      %broadcast_in_dim3A_933 = vector.broadcast %jit3A_931 : f32 to vector<4x1xf32>
      %select_n3A_934 = arith.select %gt3A_929, %broadcast_in_dim3A_932, %broadcast_in_dim3A_933 : vector<4x1xi1>, vector<4x1xf32>
      %eq3A_935 = vector.broadcast %scan3A_918 : i32 to vector<4x1024xi32>
      %eq3A_936 = arith.cmpi eq, %iota3A_569, %eq3A_935 : vector<4x1024xi32>
      %mul3A_937 = vector.broadcast %select_n3A_934 : vector<4x1xf32> to vector<4x1024xf32>
      %mul3A_938 = arith.mulf %scan3A_919, %mul3A_937 : vector<4x1024xf32>
      %select_n3A_939 = arith.select %eq3A_936, %mul3A_938, %scan3A_919 : vector<4x1024xi1>, vector<4x1024xf32>
      scf.yield %select_n3A_939 : vector<4x1024xf32>
    }
    %scan3A_599 = arith.constant 1000 : i32
    %slice3A_600 = vector.extract_strided_slice %scan3A_598 {offsets = [0, 1023], sizes = [4, 1], strides = [1, 1]} : vector<4x1024xf32> to vector<4x1xf32>
    %slice3A_601 = vector.extract_strided_slice %scan3A_598 {offsets = [0, 0], sizes = [4, 1023], strides = [1, 1]} : vector<4x1024xf32> to vector<4x1023xf32>
    %concatenate3A_602 = tpu.concatenate %slice3A_600, %slice3A_601 in 1 : vector<4x1xf32>, vector<4x1023xf32> -> vector<4x1024xf32>
    %ge3A = arith.constant 1 : i32
    %ge3A_603 = vector.broadcast %ge3A : i32 to vector<4x1024xi32>
    %ge3A_604 = arith.cmpi sge, %iota3A_569, %ge3A_603 : vector<4x1024xi32>
    %jit3A = arith.constant 0.000000e+00 : f32
    %broadcast_in_dim3A = vector.broadcast %jit3A : f32 to vector<4x1024xf32>
    %select_n3A = arith.select %ge3A_604, %concatenate3A_602, %broadcast_in_dim3A : vector<4x1024xi1>, vector<4x1024xf32>
    %add3A_605 = arith.addf %scan3A_598, %select_n3A : vector<4x1024xf32>
    %slice3A_606 = vector.extract_strided_slice %add3A_605 {offsets = [0, 1022], sizes = [4, 2], strides = [1, 1]} : vector<4x1024xf32> to vector<4x2xf32>
    %slice3A_607 = vector.extract_strided_slice %add3A_605 {offsets = [0, 0], sizes = [4, 1022], strides = [1, 1]} : vector<4x1024xf32> to vector<4x1022xf32>
    %concatenate3A_608 = tpu.concatenate %slice3A_606, %slice3A_607 in 1 : vector<4x2xf32>, vector<4x1022xf32> -> vector<4x1024xf32>
    %ge3A_609 = arith.constant 2 : i32
    %ge3A_610 = vector.broadcast %ge3A_609 : i32 to vector<4x1024xi32>
    %ge3A_611 = arith.cmpi sge, %iota3A_569, %ge3A_610 : vector<4x1024xi32>
    %jit3A_612 = arith.constant 0.000000e+00 : f32
    %broadcast_in_dim3A_613 = vector.broadcast %jit3A_612 : f32 to vector<4x1024xf32>
    %select_n3A_614 = arith.select %ge3A_611, %concatenate3A_608, %broadcast_in_dim3A_613 : vector<4x1024xi1>, vector<4x1024xf32>
    %add3A_615 = arith.addf %add3A_605, %select_n3A_614 : vector<4x1024xf32>
    %slice3A_616 = vector.extract_strided_slice %add3A_615 {offsets = [0, 1020], sizes = [4, 4], strides = [1, 1]} : vector<4x1024xf32> to vector<4x4xf32>
    %slice3A_617 = vector.extract_strided_slice %add3A_615 {offsets = [0, 0], sizes = [4, 1020], strides = [1, 1]} : vector<4x1024xf32> to vector<4x1020xf32>
    %concatenate3A_618 = tpu.concatenate %slice3A_616, %slice3A_617 in 1 : vector<4x4xf32>, vector<4x1020xf32> -> vector<4x1024xf32>
    %ge3A_619 = arith.constant 4 : i32
    %ge3A_620 = vector.broadcast %ge3A_619 : i32 to vector<4x1024xi32>
    %ge3A_621 = arith.cmpi sge, %iota3A_569, %ge3A_620 : vector<4x1024xi32>
    %jit3A_622 = arith.constant 0.000000e+00 : f32
    %broadcast_in_dim3A_623 = vector.broadcast %jit3A_622 : f32 to vector<4x1024xf32>
    %select_n3A_624 = arith.select %ge3A_621, %concatenate3A_618, %broadcast_in_dim3A_623 : vector<4x1024xi1>, vector<4x1024xf32>
    %add3A_625 = arith.addf %add3A_615, %select_n3A_624 : vector<4x1024xf32>
    %slice3A_626 = vector.extract_strided_slice %add3A_625 {offsets = [0, 1016], sizes = [4, 8], strides = [1, 1]} : vector<4x1024xf32> to vector<4x8xf32>
    %slice3A_627 = vector.extract_strided_slice %add3A_625 {offsets = [0, 0], sizes = [4, 1016], strides = [1, 1]} : vector<4x1024xf32> to vector<4x1016xf32>
    %concatenate3A_628 = tpu.concatenate %slice3A_626, %slice3A_627 in 1 : vector<4x8xf32>, vector<4x1016xf32> -> vector<4x1024xf32>
    %ge3A_629 = arith.constant 8 : i32
    %ge3A_630 = vector.broadcast %ge3A_629 : i32 to vector<4x1024xi32>
    %ge3A_631 = arith.cmpi sge, %iota3A_569, %ge3A_630 : vector<4x1024xi32>
    %jit3A_632 = arith.constant 0.000000e+00 : f32
    %broadcast_in_dim3A_633 = vector.broadcast %jit3A_632 : f32 to vector<4x1024xf32>
    %select_n3A_634 = arith.select %ge3A_631, %concatenate3A_628, %broadcast_in_dim3A_633 : vector<4x1024xi1>, vector<4x1024xf32>
    %add3A_635 = arith.addf %add3A_625, %select_n3A_634 : vector<4x1024xf32>
    %slice3A_636 = vector.extract_strided_slice %add3A_635 {offsets = [0, 1008], sizes = [4, 16], strides = [1, 1]} : vector<4x1024xf32> to vector<4x16xf32>
    %slice3A_637 = vector.extract_strided_slice %add3A_635 {offsets = [0, 0], sizes = [4, 1008], strides = [1, 1]} : vector<4x1024xf32> to vector<4x1008xf32>
    %concatenate3A_638 = tpu.concatenate %slice3A_636, %slice3A_637 in 1 : vector<4x16xf32>, vector<4x1008xf32> -> vector<4x1024xf32>
    %ge3A_639 = arith.constant 16 : i32
    %ge3A_640 = vector.broadcast %ge3A_639 : i32 to vector<4x1024xi32>
    %ge3A_641 = arith.cmpi sge, %iota3A_569, %ge3A_640 : vector<4x1024xi32>
    %jit3A_642 = arith.constant 0.000000e+00 : f32
    %broadcast_in_dim3A_643 = vector.broadcast %jit3A_642 : f32 to vector<4x1024xf32>
    %select_n3A_644 = arith.select %ge3A_641, %concatenate3A_638, %broadcast_in_dim3A_643 : vector<4x1024xi1>, vector<4x1024xf32>
    %add3A_645 = arith.addf %add3A_635, %select_n3A_644 : vector<4x1024xf32>
    %slice3A_646 = vector.extract_strided_slice %add3A_645 {offsets = [0, 992], sizes = [4, 32], strides = [1, 1]} : vector<4x1024xf32> to vector<4x32xf32>
    %slice3A_647 = vector.extract_strided_slice %add3A_645 {offsets = [0, 0], sizes = [4, 992], strides = [1, 1]} : vector<4x1024xf32> to vector<4x992xf32>
    %concatenate3A_648 = tpu.concatenate %slice3A_646, %slice3A_647 in 1 : vector<4x32xf32>, vector<4x992xf32> -> vector<4x1024xf32>
    %ge3A_649 = arith.constant 32 : i32
    %ge3A_650 = vector.broadcast %ge3A_649 : i32 to vector<4x1024xi32>
    %ge3A_651 = arith.cmpi sge, %iota3A_569, %ge3A_650 : vector<4x1024xi32>
    %jit3A_652 = arith.constant 0.000000e+00 : f32
    %broadcast_in_dim3A_653 = vector.broadcast %jit3A_652 : f32 to vector<4x1024xf32>
    %select_n3A_654 = arith.select %ge3A_651, %concatenate3A_648, %broadcast_in_dim3A_653 : vector<4x1024xi1>, vector<4x1024xf32>
    %add3A_655 = arith.addf %add3A_645, %select_n3A_654 : vector<4x1024xf32>
    %slice3A_656 = vector.extract_strided_slice %add3A_655 {offsets = [0, 960], sizes = [4, 64], strides = [1, 1]} : vector<4x1024xf32> to vector<4x64xf32>
    %slice3A_657 = vector.extract_strided_slice %add3A_655 {offsets = [0, 0], sizes = [4, 960], strides = [1, 1]} : vector<4x1024xf32> to vector<4x960xf32>
    %concatenate3A_658 = tpu.concatenate %slice3A_656, %slice3A_657 in 1 : vector<4x64xf32>, vector<4x960xf32> -> vector<4x1024xf32>
    %ge3A_659 = arith.constant 64 : i32
    %ge3A_660 = vector.broadcast %ge3A_659 : i32 to vector<4x1024xi32>
    %ge3A_661 = arith.cmpi sge, %iota3A_569, %ge3A_660 : vector<4x1024xi32>
    %jit3A_662 = arith.constant 0.000000e+00 : f32
    %broadcast_in_dim3A_663 = vector.broadcast %jit3A_662 : f32 to vector<4x1024xf32>
    %select_n3A_664 = arith.select %ge3A_661, %concatenate3A_658, %broadcast_in_dim3A_663 : vector<4x1024xi1>, vector<4x1024xf32>
    %add3A_665 = arith.addf %add3A_655, %select_n3A_664 : vector<4x1024xf32>
    %slice3A_666 = vector.extract_strided_slice %add3A_665 {offsets = [0, 896], sizes = [4, 128], strides = [1, 1]} : vector<4x1024xf32> to vector<4x128xf32>
    %slice3A_667 = vector.extract_strided_slice %add3A_665 {offsets = [0, 0], sizes = [4, 896], strides = [1, 1]} : vector<4x1024xf32> to vector<4x896xf32>
    %concatenate3A_668 = tpu.concatenate %slice3A_666, %slice3A_667 in 1 : vector<4x128xf32>, vector<4x896xf32> -> vector<4x1024xf32>
    %ge3A_669 = arith.constant 128 : i32
    %ge3A_670 = vector.broadcast %ge3A_669 : i32 to vector<4x1024xi32>
    %ge3A_671 = arith.cmpi sge, %iota3A_569, %ge3A_670 : vector<4x1024xi32>
    %jit3A_672 = arith.constant 0.000000e+00 : f32
    %broadcast_in_dim3A_673 = vector.broadcast %jit3A_672 : f32 to vector<4x1024xf32>
    %select_n3A_674 = arith.select %ge3A_671, %concatenate3A_668, %broadcast_in_dim3A_673 : vector<4x1024xi1>, vector<4x1024xf32>
    %add3A_675 = arith.addf %add3A_665, %select_n3A_674 : vector<4x1024xf32>
    %slice3A_676 = vector.extract_strided_slice %add3A_675 {offsets = [0, 768], sizes = [4, 256], strides = [1, 1]} : vector<4x1024xf32> to vector<4x256xf32>
    %slice3A_677 = vector.extract_strided_slice %add3A_675 {offsets = [0, 0], sizes = [4, 768], strides = [1, 1]} : vector<4x1024xf32> to vector<4x768xf32>
    %concatenate3A_678 = tpu.concatenate %slice3A_676, %slice3A_677 in 1 : vector<4x256xf32>, vector<4x768xf32> -> vector<4x1024xf32>
    %ge3A_679 = arith.constant 256 : i32
    %ge3A_680 = vector.broadcast %ge3A_679 : i32 to vector<4x1024xi32>
    %ge3A_681 = arith.cmpi sge, %iota3A_569, %ge3A_680 : vector<4x1024xi32>
    %jit3A_682 = arith.constant 0.000000e+00 : f32
    %broadcast_in_dim3A_683 = vector.broadcast %jit3A_682 : f32 to vector<4x1024xf32>
    %select_n3A_684 = arith.select %ge3A_681, %concatenate3A_678, %broadcast_in_dim3A_683 : vector<4x1024xi1>, vector<4x1024xf32>
    %add3A_685 = arith.addf %add3A_675, %select_n3A_684 : vector<4x1024xf32>
    %slice3A_686 = vector.extract_strided_slice %add3A_685 {offsets = [0, 512], sizes = [4, 512], strides = [1, 1]} : vector<4x1024xf32> to vector<4x512xf32>
    %slice3A_687 = vector.extract_strided_slice %add3A_685 {offsets = [0, 0], sizes = [4, 512], strides = [1, 1]} : vector<4x1024xf32> to vector<4x512xf32>
    %concatenate3A_688 = tpu.concatenate %slice3A_686, %slice3A_687 in 1 : vector<4x512xf32>, vector<4x512xf32> -> vector<4x1024xf32>
    %ge3A_689 = arith.constant 512 : i32
    %ge3A_690 = vector.broadcast %ge3A_689 : i32 to vector<4x1024xi32>
    %ge3A_691 = arith.cmpi sge, %iota3A_569, %ge3A_690 : vector<4x1024xi32>
    %jit3A_692 = arith.constant 0.000000e+00 : f32
    %broadcast_in_dim3A_693 = vector.broadcast %jit3A_692 : f32 to vector<4x1024xf32>
    %select_n3A_694 = arith.select %ge3A_691, %concatenate3A_688, %broadcast_in_dim3A_693 : vector<4x1024xi1>, vector<4x1024xf32>
    %add3A_695 = arith.addf %add3A_685, %select_n3A_694 : vector<4x1024xf32>
    %sub3A_696 = arith.subf %add3A_695, %scan3A_598 : vector<4x1024xf32>
    %iota3A_697 = tpu.iota {dimensions = array<i32: 0>} : vector<152x1xi32>
    %convert_element_type3A_698 = arith.sitofp %iota3A_697 : vector<152x1xi32> to vector<152x1xf32>
    %get3A_699 = arith.constant 0 : index
    %get3A_700 = arith.constant 0 : index
    %get3A_701 = arith.constant 0 : index
    %get3A_702 = vector.load %arg0[%get3A_699, %get3A_700, %get3A_701] : memref<4x1024x8xf32, #tpu.memory_space<vmem>>, vector<1x1024x8xf32>
    %get3A_703 = vector.shape_cast %get3A_702 : vector<1x1024x8xf32> to vector<1024x8xf32>
    %slice3A_704 = vector.extract_strided_slice %sub3A_696 {offsets = [0, 0], sizes = [1, 1024], strides = [1, 1]} : vector<4x1024xf32> to vector<1x1024xf32>
    %slice3A_705 = vector.extract_strided_slice %scan3A_598 {offsets = [0, 0], sizes = [1, 1024], strides = [1, 1]} : vector<4x1024xf32> to vector<1x1024xf32>
    %add3A_706 = arith.constant 0.000000e+00 : f32
    %add3A_707 = vector.broadcast %add3A_706 : f32 to vector<152x1xf32>
    %add3A_708 = arith.addf %convert_element_type3A_698, %add3A_707 : vector<152x1xf32>
    %eq3A_709 = vector.broadcast %slice3A_704 : vector<1x1024xf32> to vector<152x1024xf32>
    %eq3A_710 = vector.broadcast %add3A_708 : vector<152x1xf32> to vector<152x1024xf32>
    %eq3A_711 = arith.cmpf oeq, %eq3A_709, %eq3A_710 : vector<152x1024xf32>
    %gt3A_712 = arith.constant 0.000000e+00 : f32
    %gt3A_713 = vector.broadcast %gt3A_712 : f32 to vector<1x1024xf32>
    %gt3A_714 = arith.cmpf ogt, %slice3A_705, %gt3A_713 : vector<1x1024xf32>
    %and3A = vector.broadcast %gt3A_714 : vector<1x1024xi1> to vector<152x1024xi1>
    %and3A_715 = arith.andi %eq3A_711, %and3A : vector<152x1024xi1>
    %jit3A_716 = arith.constant 1.000000e+00 : f32
    %jit3A_717 = arith.constant 0.000000e+00 : f32
    %broadcast_in_dim3A_718 = vector.broadcast %jit3A_716 : f32 to vector<152x1024xf32>
    %broadcast_in_dim3A_719 = vector.broadcast %jit3A_717 : f32 to vector<152x1024xf32>
    %select_n3A_720 = arith.select %and3A_715, %broadcast_in_dim3A_718, %broadcast_in_dim3A_719 : vector<152x1024xi1>, vector<152x1024xf32>
    %dot_general3A_721 = arith.constant dense<0.000000e+00> : vector<152x8xf32>
    %dot_general3A_722 = tpu.matmul %select_n3A_720, %get3A_703, %dot_general3A_721 {dimension_numbers = #tpu.dot_dimension_numbers<[1], [0], [0], [1], [0, 0, 1, 1], [], []>, transpose_lhs_hint = false} : vector<152x1024xf32>, vector<1024x8xf32>, vector<152x8xf32> -> vector<152x8xf32>
    %swap3A_723 = arith.constant 0 : index
    %swap3A_724 = arith.constant 0 : index
    %swap3A_725 = arith.constant 0 : index
    %swap3A_726 = vector.load %arg1[%swap3A_723, %swap3A_724, %swap3A_725] : memref<4x304x8xf32, #tpu.memory_space<vmem>>, vector<1x152x8xf32>
    %swap3A_727 = vector.shape_cast %swap3A_726 : vector<1x152x8xf32> to vector<152x8xf32>
    %swap3A_728 = vector.shape_cast %dot_general3A_722 : vector<152x8xf32> to vector<1x152x8xf32>
    tpu.vector_store %arg1[%swap3A_723, %swap3A_724, %swap3A_725], %swap3A_728 {strides = array<i32>} : memref<4x304x8xf32, #tpu.memory_space<vmem>>, vector<1x152x8xf32>,
    %add3A_729 = arith.constant 1.520000e+02 : f32
    %add3A_730 = vector.broadcast %add3A_729 : f32 to vector<152x1xf32>
    %add3A_731 = arith.addf %convert_element_type3A_698, %add3A_730 : vector<152x1xf32>
    %eq3A_732 = vector.broadcast %slice3A_704 : vector<1x1024xf32> to vector<152x1024xf32>
    %eq3A_733 = vector.broadcast %add3A_731 : vector<152x1xf32> to vector<152x1024xf32>
    %eq3A_734 = arith.cmpf oeq, %eq3A_732, %eq3A_733 : vector<152x1024xf32>
    %gt3A_735 = arith.constant 0.000000e+00 : f32
    %gt3A_736 = vector.broadcast %gt3A_735 : f32 to vector<1x1024xf32>
    %gt3A_737 = arith.cmpf ogt, %slice3A_705, %gt3A_736 : vector<1x1024xf32>
    %and3A_738 = vector.broadcast %gt3A_737 : vector<1x1024xi1> to vector<152x1024xi1>
    %and3A_739 = arith.andi %eq3A_734, %and3A_738 : vector<152x1024xi1>
    %jit3A_740 = arith.constant 1.000000e+00 : f32
    %jit3A_741 = arith.constant 0.000000e+00 : f32
    %broadcast_in_dim3A_742 = vector.broadcast %jit3A_740 : f32 to vector<152x1024xf32>
    %broadcast_in_dim3A_743 = vector.broadcast %jit3A_741 : f32 to vector<152x1024xf32>
    %select_n3A_744 = arith.select %and3A_739, %broadcast_in_dim3A_742, %broadcast_in_dim3A_743 : vector<152x1024xi1>, vector<152x1024xf32>
    %dot_general3A_745 = arith.constant dense<0.000000e+00> : vector<152x8xf32>
    %dot_general3A_746 = tpu.matmul %select_n3A_744, %get3A_703, %dot_general3A_745 {dimension_numbers = #tpu.dot_dimension_numbers<[1], [0], [0], [1], [0, 0, 1, 1], [], []>, transpose_lhs_hint = false} : vector<152x1024xf32>, vector<1024x8xf32>, vector<152x8xf32> -> vector<152x8xf32>
    %swap3A_747 = arith.constant 0 : index
    %swap3A_748 = arith.constant 152 : index
    %swap3A_749 = arith.constant 0 : index
    %swap3A_750 = vector.load %arg1[%swap3A_747, %swap3A_748, %swap3A_749] : memref<4x304x8xf32, #tpu.memory_space<vmem>>, vector<1x152x8xf32>
    %swap3A_751 = vector.shape_cast %swap3A_750 : vector<1x152x8xf32> to vector<152x8xf32>
    %swap3A_752 = vector.shape_cast %dot_general3A_746 : vector<152x8xf32> to vector<1x152x8xf32>
    tpu.vector_store %arg1[%swap3A_747, %swap3A_748, %swap3A_749], %swap3A_752 {strides = array<i32>} : memref<4x304x8xf32, #tpu.memory_space<vmem>>, vector<1x152x8xf32>,
    %get3A_753 = arith.constant 1 : index
    %get3A_754 = arith.constant 0 : index
    %get3A_755 = arith.constant 0 : index
    %get3A_756 = vector.load %arg0[%get3A_753, %get3A_754, %get3A_755] : memref<4x1024x8xf32, #tpu.memory_space<vmem>>, vector<1x1024x8xf32>
    %get3A_757 = vector.shape_cast %get3A_756 : vector<1x1024x8xf32> to vector<1024x8xf32>
    %slice3A_758 = vector.extract_strided_slice %sub3A_696 {offsets = [1, 0], sizes = [1, 1024], strides = [1, 1]} : vector<4x1024xf32> to vector<1x1024xf32>
    %slice3A_759 = vector.extract_strided_slice %scan3A_598 {offsets = [1, 0], sizes = [1, 1024], strides = [1, 1]} : vector<4x1024xf32> to vector<1x1024xf32>
    %add3A_760 = arith.constant 0.000000e+00 : f32
    %add3A_761 = vector.broadcast %add3A_760 : f32 to vector<152x1xf32>
    %add3A_762 = arith.addf %convert_element_type3A_698, %add3A_761 : vector<152x1xf32>
    %eq3A_763 = vector.broadcast %slice3A_758 : vector<1x1024xf32> to vector<152x1024xf32>
    %eq3A_764 = vector.broadcast %add3A_762 : vector<152x1xf32> to vector<152x1024xf32>
    %eq3A_765 = arith.cmpf oeq, %eq3A_763, %eq3A_764 : vector<152x1024xf32>
    %gt3A_766 = arith.constant 0.000000e+00 : f32
    %gt3A_767 = vector.broadcast %gt3A_766 : f32 to vector<1x1024xf32>
    %gt3A_768 = arith.cmpf ogt, %slice3A_759, %gt3A_767 : vector<1x1024xf32>
    %and3A_769 = vector.broadcast %gt3A_768 : vector<1x1024xi1> to vector<152x1024xi1>
    %and3A_770 = arith.andi %eq3A_765, %and3A_769 : vector<152x1024xi1>
    %jit3A_771 = arith.constant 1.000000e+00 : f32
    %jit3A_772 = arith.constant 0.000000e+00 : f32
    %broadcast_in_dim3A_773 = vector.broadcast %jit3A_771 : f32 to vector<152x1024xf32>
    %broadcast_in_dim3A_774 = vector.broadcast %jit3A_772 : f32 to vector<152x1024xf32>
    %select_n3A_775 = arith.select %and3A_770, %broadcast_in_dim3A_773, %broadcast_in_dim3A_774 : vector<152x1024xi1>, vector<152x1024xf32>
    %dot_general3A_776 = arith.constant dense<0.000000e+00> : vector<152x8xf32>
    %dot_general3A_777 = tpu.matmul %select_n3A_775, %get3A_757, %dot_general3A_776 {dimension_numbers = #tpu.dot_dimension_numbers<[1], [0], [0], [1], [0, 0, 1, 1], [], []>, transpose_lhs_hint = false} : vector<152x1024xf32>, vector<1024x8xf32>, vector<152x8xf32> -> vector<152x8xf32>
    %swap3A_778 = arith.constant 1 : index
    %swap3A_779 = arith.constant 0 : index
    %swap3A_780 = arith.constant 0 : index
    %swap3A_781 = vector.load %arg1[%swap3A_778, %swap3A_779, %swap3A_780] : memref<4x304x8xf32, #tpu.memory_space<vmem>>, vector<1x152x8xf32>
    %swap3A_782 = vector.shape_cast %swap3A_781 : vector<1x152x8xf32> to vector<152x8xf32>
    %swap3A_783 = vector.shape_cast %dot_general3A_777 : vector<152x8xf32> to vector<1x152x8xf32>
    tpu.vector_store %arg1[%swap3A_778, %swap3A_779, %swap3A_780], %swap3A_783 {strides = array<i32>} : memref<4x304x8xf32, #tpu.memory_space<vmem>>, vector<1x152x8xf32>,
    %add3A_784 = arith.constant 1.520000e+02 : f32
    %add3A_785 = vector.broadcast %add3A_784 : f32 to vector<152x1xf32>
    %add3A_786 = arith.addf %convert_element_type3A_698, %add3A_785 : vector<152x1xf32>
    %eq3A_787 = vector.broadcast %slice3A_758 : vector<1x1024xf32> to vector<152x1024xf32>
    %eq3A_788 = vector.broadcast %add3A_786 : vector<152x1xf32> to vector<152x1024xf32>
    %eq3A_789 = arith.cmpf oeq, %eq3A_787, %eq3A_788 : vector<152x1024xf32>
    %gt3A_790 = arith.constant 0.000000e+00 : f32
    %gt3A_791 = vector.broadcast %gt3A_790 : f32 to vector<1x1024xf32>
    %gt3A_792 = arith.cmpf ogt, %slice3A_759, %gt3A_791 : vector<1x1024xf32>
    %and3A_793 = vector.broadcast %gt3A_792 : vector<1x1024xi1> to vector<152x1024xi1>
    %and3A_794 = arith.andi %eq3A_789, %and3A_793 : vector<152x1024xi1>
    %jit3A_795 = arith.constant 1.000000e+00 : f32
    %jit3A_796 = arith.constant 0.000000e+00 : f32
    %broadcast_in_dim3A_797 = vector.broadcast %jit3A_795 : f32 to vector<152x1024xf32>
    %broadcast_in_dim3A_798 = vector.broadcast %jit3A_796 : f32 to vector<152x1024xf32>
    %select_n3A_799 = arith.select %and3A_794, %broadcast_in_dim3A_797, %broadcast_in_dim3A_798 : vector<152x1024xi1>, vector<152x1024xf32>
    %dot_general3A_800 = arith.constant dense<0.000000e+00> : vector<152x8xf32>
    %dot_general3A_801 = tpu.matmul %select_n3A_799, %get3A_757, %dot_general3A_800 {dimension_numbers = #tpu.dot_dimension_numbers<[1], [0], [0], [1], [0, 0, 1, 1], [], []>, transpose_lhs_hint = false} : vector<152x1024xf32>, vector<1024x8xf32>, vector<152x8xf32> -> vector<152x8xf32>
    %swap3A_802 = arith.constant 1 : index
    %swap3A_803 = arith.constant 152 : index
    %swap3A_804 = arith.constant 0 : index
    %swap3A_805 = vector.load %arg1[%swap3A_802, %swap3A_803, %swap3A_804] : memref<4x304x8xf32, #tpu.memory_space<vmem>>, vector<1x152x8xf32>
    %swap3A_806 = vector.shape_cast %swap3A_805 : vector<1x152x8xf32> to vector<152x8xf32>
    %swap3A_807 = vector.shape_cast %dot_general3A_801 : vector<152x8xf32> to vector<1x152x8xf32>
    tpu.vector_store %arg1[%swap3A_802, %swap3A_803, %swap3A_804], %swap3A_807 {strides = array<i32>} : memref<4x304x8xf32, #tpu.memory_space<vmem>>, vector<1x152x8xf32>,
    %get3A_808 = arith.constant 2 : index
    %get3A_809 = arith.constant 0 : index
    %get3A_810 = arith.constant 0 : index
    %get3A_811 = vector.load %arg0[%get3A_808, %get3A_809, %get3A_810] : memref<4x1024x8xf32, #tpu.memory_space<vmem>>, vector<1x1024x8xf32>
    %get3A_812 = vector.shape_cast %get3A_811 : vector<1x1024x8xf32> to vector<1024x8xf32>
    %slice3A_813 = vector.extract_strided_slice %sub3A_696 {offsets = [2, 0], sizes = [1, 1024], strides = [1, 1]} : vector<4x1024xf32> to vector<1x1024xf32>
    %slice3A_814 = vector.extract_strided_slice %scan3A_598 {offsets = [2, 0], sizes = [1, 1024], strides = [1, 1]} : vector<4x1024xf32> to vector<1x1024xf32>
    %add3A_815 = arith.constant 0.000000e+00 : f32
    %add3A_816 = vector.broadcast %add3A_815 : f32 to vector<152x1xf32>
    %add3A_817 = arith.addf %convert_element_type3A_698, %add3A_816 : vector<152x1xf32>
    %eq3A_818 = vector.broadcast %slice3A_813 : vector<1x1024xf32> to vector<152x1024xf32>
    %eq3A_819 = vector.broadcast %add3A_817 : vector<152x1xf32> to vector<152x1024xf32>
    %eq3A_820 = arith.cmpf oeq, %eq3A_818, %eq3A_819 : vector<152x1024xf32>
    %gt3A_821 = arith.constant 0.000000e+00 : f32
    %gt3A_822 = vector.broadcast %gt3A_821 : f32 to vector<1x1024xf32>
    %gt3A_823 = arith.cmpf ogt, %slice3A_814, %gt3A_822 : vector<1x1024xf32>
    %and3A_824 = vector.broadcast %gt3A_823 : vector<1x1024xi1> to vector<152x1024xi1>
    %and3A_825 = arith.andi %eq3A_820, %and3A_824 : vector<152x1024xi1>
    %jit3A_826 = arith.constant 1.000000e+00 : f32
    %jit3A_827 = arith.constant 0.000000e+00 : f32
    %broadcast_in_dim3A_828 = vector.broadcast %jit3A_826 : f32 to vector<152x1024xf32>
    %broadcast_in_dim3A_829 = vector.broadcast %jit3A_827 : f32 to vector<152x1024xf32>
    %select_n3A_830 = arith.select %and3A_825, %broadcast_in_dim3A_828, %broadcast_in_dim3A_829 : vector<152x1024xi1>, vector<152x1024xf32>
    %dot_general3A_831 = arith.constant dense<0.000000e+00> : vector<152x8xf32>
    %dot_general3A_832 = tpu.matmul %select_n3A_830, %get3A_812, %dot_general3A_831 {dimension_numbers = #tpu.dot_dimension_numbers<[1], [0], [0], [1], [0, 0, 1, 1], [], []>, transpose_lhs_hint = false} : vector<152x1024xf32>, vector<1024x8xf32>, vector<152x8xf32> -> vector<152x8xf32>
    %swap3A_833 = arith.constant 2 : index
    %swap3A_834 = arith.constant 0 : index
    %swap3A_835 = arith.constant 0 : index
    %swap3A_836 = vector.load %arg1[%swap3A_833, %swap3A_834, %swap3A_835] : memref<4x304x8xf32, #tpu.memory_space<vmem>>, vector<1x152x8xf32>
    %swap3A_837 = vector.shape_cast %swap3A_836 : vector<1x152x8xf32> to vector<152x8xf32>
    %swap3A_838 = vector.shape_cast %dot_general3A_832 : vector<152x8xf32> to vector<1x152x8xf32>
    tpu.vector_store %arg1[%swap3A_833, %swap3A_834, %swap3A_835], %swap3A_838 {strides = array<i32>} : memref<4x304x8xf32, #tpu.memory_space<vmem>>, vector<1x152x8xf32>,
    %add3A_839 = arith.constant 1.520000e+02 : f32
    %add3A_840 = vector.broadcast %add3A_839 : f32 to vector<152x1xf32>
    %add3A_841 = arith.addf %convert_element_type3A_698, %add3A_840 : vector<152x1xf32>
    %eq3A_842 = vector.broadcast %slice3A_813 : vector<1x1024xf32> to vector<152x1024xf32>
    %eq3A_843 = vector.broadcast %add3A_841 : vector<152x1xf32> to vector<152x1024xf32>
    %eq3A_844 = arith.cmpf oeq, %eq3A_842, %eq3A_843 : vector<152x1024xf32>
    %gt3A_845 = arith.constant 0.000000e+00 : f32
    %gt3A_846 = vector.broadcast %gt3A_845 : f32 to vector<1x1024xf32>
    %gt3A_847 = arith.cmpf ogt, %slice3A_814, %gt3A_846 : vector<1x1024xf32>
    %and3A_848 = vector.broadcast %gt3A_847 : vector<1x1024xi1> to vector<152x1024xi1>
    %and3A_849 = arith.andi %eq3A_844, %and3A_848 : vector<152x1024xi1>
    %jit3A_850 = arith.constant 1.000000e+00 : f32
    %jit3A_851 = arith.constant 0.000000e+00 : f32
    %broadcast_in_dim3A_852 = vector.broadcast %jit3A_850 : f32 to vector<152x1024xf32>
    %broadcast_in_dim3A_853 = vector.broadcast %jit3A_851 : f32 to vector<152x1024xf32>
    %select_n3A_854 = arith.select %and3A_849, %broadcast_in_dim3A_852, %broadcast_in_dim3A_853 : vector<152x1024xi1>, vector<152x1024xf32>
    %dot_general3A_855 = arith.constant dense<0.000000e+00> : vector<152x8xf32>
    %dot_general3A_856 = tpu.matmul %select_n3A_854, %get3A_812, %dot_general3A_855 {dimension_numbers = #tpu.dot_dimension_numbers<[1], [0], [0], [1], [0, 0, 1, 1], [], []>, transpose_lhs_hint = false} : vector<152x1024xf32>, vector<1024x8xf32>, vector<152x8xf32> -> vector<152x8xf32>
    %swap3A_857 = arith.constant 2 : index
    %swap3A_858 = arith.constant 152 : index
    %swap3A_859 = arith.constant 0 : index
    %swap3A_860 = vector.load %arg1[%swap3A_857, %swap3A_858, %swap3A_859] : memref<4x304x8xf32, #tpu.memory_space<vmem>>, vector<1x152x8xf32>
    %swap3A_861 = vector.shape_cast %swap3A_860 : vector<1x152x8xf32> to vector<152x8xf32>
    %swap3A_862 = vector.shape_cast %dot_general3A_856 : vector<152x8xf32> to vector<1x152x8xf32>
    tpu.vector_store %arg1[%swap3A_857, %swap3A_858, %swap3A_859], %swap3A_862 {strides = array<i32>} : memref<4x304x8xf32, #tpu.memory_space<vmem>>, vector<1x152x8xf32>,
    %get3A_863 = arith.constant 3 : index
    %get3A_864 = arith.constant 0 : index
    %get3A_865 = arith.constant 0 : index
    %get3A_866 = vector.load %arg0[%get3A_863, %get3A_864, %get3A_865] : memref<4x1024x8xf32, #tpu.memory_space<vmem>>, vector<1x1024x8xf32>
    %get3A_867 = vector.shape_cast %get3A_866 : vector<1x1024x8xf32> to vector<1024x8xf32>
    %slice3A_868 = vector.extract_strided_slice %sub3A_696 {offsets = [3, 0], sizes = [1, 1024], strides = [1, 1]} : vector<4x1024xf32> to vector<1x1024xf32>
    %slice3A_869 = vector.extract_strided_slice %scan3A_598 {offsets = [3, 0], sizes = [1, 1024], strides = [1, 1]} : vector<4x1024xf32> to vector<1x1024xf32>
    %add3A_870 = arith.constant 0.000000e+00 : f32
    %add3A_871 = vector.broadcast %add3A_870 : f32 to vector<152x1xf32>
    %add3A_872 = arith.addf %convert_element_type3A_698, %add3A_871 : vector<152x1xf32>
    %eq3A_873 = vector.broadcast %slice3A_868 : vector<1x1024xf32> to vector<152x1024xf32>
    %eq3A_874 = vector.broadcast %add3A_872 : vector<152x1xf32> to vector<152x1024xf32>
    %eq3A_875 = arith.cmpf oeq, %eq3A_873, %eq3A_874 : vector<152x1024xf32>
    %gt3A_876 = arith.constant 0.000000e+00 : f32
    %gt3A_877 = vector.broadcast %gt3A_876 : f32 to vector<1x1024xf32>
    %gt3A_878 = arith.cmpf ogt, %slice3A_869, %gt3A_877 : vector<1x1024xf32>
    %and3A_879 = vector.broadcast %gt3A_878 : vector<1x1024xi1> to vector<152x1024xi1>
    %and3A_880 = arith.andi %eq3A_875, %and3A_879 : vector<152x1024xi1>
    %jit3A_881 = arith.constant 1.000000e+00 : f32
    %jit3A_882 = arith.constant 0.000000e+00 : f32
    %broadcast_in_dim3A_883 = vector.broadcast %jit3A_881 : f32 to vector<152x1024xf32>
    %broadcast_in_dim3A_884 = vector.broadcast %jit3A_882 : f32 to vector<152x1024xf32>
    %select_n3A_885 = arith.select %and3A_880, %broadcast_in_dim3A_883, %broadcast_in_dim3A_884 : vector<152x1024xi1>, vector<152x1024xf32>
    %dot_general3A_886 = arith.constant dense<0.000000e+00> : vector<152x8xf32>
    %dot_general3A_887 = tpu.matmul %select_n3A_885, %get3A_867, %dot_general3A_886 {dimension_numbers = #tpu.dot_dimension_numbers<[1], [0], [0], [1], [0, 0, 1, 1], [], []>, transpose_lhs_hint = false} : vector<152x1024xf32>, vector<1024x8xf32>, vector<152x8xf32> -> vector<152x8xf32>
    %swap3A_888 = arith.constant 3 : index
    %swap3A_889 = arith.constant 0 : index
    %swap3A_890 = arith.constant 0 : index
    %swap3A_891 = vector.load %arg1[%swap3A_888, %swap3A_889, %swap3A_890] : memref<4x304x8xf32, #tpu.memory_space<vmem>>, vector<1x152x8xf32>
    %swap3A_892 = vector.shape_cast %swap3A_891 : vector<1x152x8xf32> to vector<152x8xf32>
    %swap3A_893 = vector.shape_cast %dot_general3A_887 : vector<152x8xf32> to vector<1x152x8xf32>
    tpu.vector_store %arg1[%swap3A_888, %swap3A_889, %swap3A_890], %swap3A_893 {strides = array<i32>} : memref<4x304x8xf32, #tpu.memory_space<vmem>>, vector<1x152x8xf32>,
    %add3A_894 = arith.constant 1.520000e+02 : f32
    %add3A_895 = vector.broadcast %add3A_894 : f32 to vector<152x1xf32>
    %add3A_896 = arith.addf %convert_element_type3A_698, %add3A_895 : vector<152x1xf32>
    %eq3A_897 = vector.broadcast %slice3A_868 : vector<1x1024xf32> to vector<152x1024xf32>
    %eq3A_898 = vector.broadcast %add3A_896 : vector<152x1xf32> to vector<152x1024xf32>
    %eq3A_899 = arith.cmpf oeq, %eq3A_897, %eq3A_898 : vector<152x1024xf32>
    %gt3A_900 = arith.constant 0.000000e+00 : f32
    %gt3A_901 = vector.broadcast %gt3A_900 : f32 to vector<1x1024xf32>
    %gt3A_902 = arith.cmpf ogt, %slice3A_869, %gt3A_901 : vector<1x1024xf32>
    %and3A_903 = vector.broadcast %gt3A_902 : vector<1x1024xi1> to vector<152x1024xi1>
    %and3A_904 = arith.andi %eq3A_899, %and3A_903 : vector<152x1024xi1>
    %jit3A_905 = arith.constant 1.000000e+00 : f32
    %jit3A_906 = arith.constant 0.000000e+00 : f32
    %broadcast_in_dim3A_907 = vector.broadcast %jit3A_905 : f32 to vector<152x1024xf32>
    %broadcast_in_dim3A_908 = vector.broadcast %jit3A_906 : f32 to vector<152x1024xf32>
    %select_n3A_909 = arith.select %and3A_904, %broadcast_in_dim3A_907, %broadcast_in_dim3A_908 : vector<152x1024xi1>, vector<152x1024xf32>
    %dot_general3A_910 = arith.constant dense<0.000000e+00> : vector<152x8xf32>
    %dot_general3A_911 = tpu.matmul %select_n3A_909, %get3A_867, %dot_general3A_910 {dimension_numbers = #tpu.dot_dimension_numbers<[1], [0], [0], [1], [0, 0, 1, 1], [], []>, transpose_lhs_hint = false} : vector<152x1024xf32>, vector<1024x8xf32>, vector<152x8xf32> -> vector<152x8xf32>
    %swap3A_912 = arith.constant 3 : index
    %swap3A_913 = arith.constant 152 : index
    %swap3A_914 = arith.constant 0 : index
    %swap3A_915 = vector.load %arg1[%swap3A_912, %swap3A_913, %swap3A_914] : memref<4x304x8xf32, #tpu.memory_space<vmem>>, vector<1x152x8xf32>
    %swap3A_916 = vector.shape_cast %swap3A_915 : vector<1x152x8xf32> to vector<152x8xf32>
    %swap3A_917 = vector.shape_cast %dot_general3A_911 : vector<152x8xf32> to vector<1x152x8xf32>
    tpu.vector_store %arg1[%swap3A_912, %swap3A_913, %swap3A_914], %swap3A_917 {strides = array<i32>} : memref<4x304x8xf32, #tpu.memory_space<vmem>>, vector<1x152x8xf32>,
    return
  }
}

</mosaic_0001>

<sc_bundles>
// kernel: gather_offload_async_start.1
scs
__scs_entry_jumppad:
0x0: {  	(pc) =	sbr.rel $0x88, $3  }
0x1: {  	(tag) =	ssettag $0x0;
	lr =	simm.s32 $0x1  }
0x2: {  	[smem:$0x3FA0] =	sst lr;
	_ =	strace $0xD0000000  }
0x3: {  	_ = 	snop  }
0x4: {  	_ = 	snop  }
0x5: {  	_ = 	snop  }
0x6: {  	_ = 	snop  }
0x7: {  	_ = 	snop  }
__scs_overlays_trampoline_lowered:
0x8: {  	[smem:$0x3FAF] =	sst s0  }
0x9: {  	[smem:$0x3FB0] =	sst s1  }
0xa: {  	[smem:$0x3FB1] =	sst s2  }
0xb: {  	[smem:$0x3FB2] =	sst s3  }
0xc: {  	[smem:$0x3FB3] =	sst s4  }
0xd: {  	[smem:$0x3FB4] =	sst s5  }
0xe: {  	[smem:$0x3FB5] =	sst s6  }
0xf: {  	[smem:$0x3FB6] =	sst s7  }
0x10: {  	[smem:$0x3FB7] =	sst s8  }
0x11: {  	[smem:$0x3FB8] =	sst s9;
	s0 =	simm.s32 @!p0 $0x0  }
0x12: {  	s1 =	sld [smem:$0x3F9E];
	s0 =	simm.s32 @p0 $0x1  }
0x13: {  	[smem:$0x3FB9] =	sst s0;
	s0 =	simm.s32 @!p1 $0x0  }
0x14: {  	s2 =	sld [smem:$0x3F9D];
	s0 =	simm.s32 @p1 $0x1  }
0x15: {  	[smem:$0x3FBA] =	sst s0;
	s0 =	simm.s32 @!p2 $0x0  }
0x16: {  	s3 =	sld [smem:$0x3FDB];
	s0 =	simm.s32 @p2 $0x1  }
0x17: {  	s4 =	simm.s32 $0x1BF5;
	[smem:$0x3FBC] =	sst s0  }
0x18: {  	s0 =	sld [smem:$0x3F9F];
	_ =	swait.ge [sflag:s4], $0x0  }
0x19: {  	s7 =	sld [smem:$0x3FA0]  }
0x1a: {  	s8 =	sadd.s32 $0xFFFFE003, lr  }
0x1b: {  	s9 =	sadd.s32 $0xFFFFFEF7, lr;
	s5 =	simm.s32 $0xFFFFFFFF;
	p2 =	slt.u32 s8, $0xFFFFF086  }
0x1c: {  	p1 =	slt.u32 s9, $0xF7A;
	s5 =	simm.s32 @!p2 $0x0  }
0x1d: {  	s5 =	simm.s32 @p1 $0x1;
	p0 =	seq.s32 s7, s2  }
0x1e: {  	s7 =	smul.u32 @!p0 $0xF7A, s2;
	p2 =	seq.s32 @!p0 s5, $0x0  }
0x1f: {  	s9 =	smul.u32 $0xF7A, s1;
	s8 =	simm.s32 @!p0 $0x1BF5;
	p2 =	por !p2, p0  }
0x20: {  	[sflag:s8] =	ssyncset.s32 @!p0 $0xFFFFF086;
	s6 =	sadd.s32 @!p0 s3, s7;
	s7 =	simm.s32 @!p0 $0x108  }
0x21: {  	s3 =	sadd.s32 s3, s9;
	s6 =	sadd.s32 @!p0 $0x88, s6;
	s7 =	simm.s32 @p2 $0x1082  }
0x22: {  	[simem:s7], [sflag:s8] =	dma.local @!p0 [hbm:s6], $0xF7A  }
0x23: {  	s9 =	sor.u32 $0xD0000000, s2;
	s6 =	simm.s32 $0x108;
	_ =	swait.ge @!p0 [sflag:s8], $0x0  }
0x24: {  	s3 =	sadd.s32 $0x88, s3;
	s6 =	simm.s32 @!p1 $0x1082;
	[sflag:s4] =	ssyncset.s32 $0xFFFFF086  }
0x25: {  	[simem:s6], [sflag:s4] =	dma.local [hbm:s3], $0xF7A  }
0x26: {  	[smem:$0x3FA0] =	sst s1;
	(tag) =	ssettag s2;
	_ =	strace s9  }
0x27: {  	s1 =	sld [smem:$0x3FB0]  }
0x28: {  	s2 =	sld [smem:$0x3FB1]  }
0x29: {  	s4 =	sld [smem:$0x3FB3]  }
0x2a: {  	p0 =	seq.s32 s5, $0x0;
	s5 =	sld [smem:$0x3FB4]  }
0x2b: {  	s6 =	sld [smem:$0x3FB5]  }
0x2c: {  	s7 =	sld [smem:$0x3FB6]  }
0x2d: {  	s3 =	simm.s32 $0x108;
	s8 =	sld [smem:$0x3FB7]  }
0x2e: {  	s3 =	simm.s32 @!p0 $0x1082;
	s9 =	sld [smem:$0x3FB8]  }
0x2f: {  	lr =	sadd.s32 s0, s3;
	s0 =	sld [smem:$0x3FAF]  }
0x30: {  	s3 =	sld [smem:$0x3FB2]  }
0x31: {  	[smem:$0x3FBB] =	sst s10  }
0x32: {  	s10 =	sld [smem:$0x3FB9];
	_ =	sdelay $0x3  }
0x33: {  	p0 =	seq.s32 s10, $0x1;
	s10 =	sld [smem:$0x3FBB];
	_ =	sdelay $0x3  }
0x34: {  	[smem:$0x3FBB] =	sst s10  }
0x35: {  	s10 =	sld [smem:$0x3FBA];
	_ =	sdelay $0x3  }
0x36: {  	p1 =	seq.s32 s10, $0x1;
	s10 =	sld [smem:$0x3FBB];
	_ =	sdelay $0x3  }
0x37: {  	[smem:$0x3FBB] =	sst s10  }
0x38: {  	s10 =	sld [smem:$0x3FBC]  }
0x39: {  	_ = 	snop;
	(pc) =	sbr.ind lr, $3  }
0x3a: {  	_ = 	snop  }
0x3b: {  	_ = 	snop  }
0x3c: {  	p2 =	seq.s32 s10, $0x1;
	s10 =	sld [smem:$0x3FBB]  }
0x3d: {  	_ =	shalt  }
0x3e: {  	_ =	shalt  }
0x3f: {  	_ =	shalt  }
0x40: {  	_ =	shalt  }
0x41: {  	_ =	shalt  }
0x42: {  	_ =	shalt  }
0x43: {  	_ =	shalt  }
0x44: {  	_ =	shalt  }
0x45: {  	_ =	shalt  }
0x46: {  	_ =	shalt  }
0x47: {  	_ =	shalt  }
0x48: {  	_ =	shalt  }
0x49: {  	_ =	shalt  }
0x4a: {  	_ =	shalt  }
0x4b: {  	_ =	shalt  }
0x4c: {  	_ =	shalt  }
0x4d: {  	_ =	shalt  }
0x4e: {  	_ =	shalt  }
0x4f: {  	_ =	shalt  }
0x50: {  	_ =	shalt  }
0x51: {  	_ =	shalt  }
0x52: {  	_ =	shalt  }
0x53: {  	_ =	shalt  }
0x54: {  	_ =	shalt  }
0x55: {  	_ =	shalt  }
0x56: {  	_ =	shalt  }
0x57: {  	_ =	shalt  }
0x58: {  	_ =	shalt  }
0x59: {  	_ =	shalt  }
0x5a: {  	_ =	shalt  }
0x5b: {  	_ =	shalt  }
0x5c: {  	_ =	shalt  }
0x5d: {  	_ =	shalt  }
0x5e: {  	_ =	shalt  }
0x5f: {  	_ =	shalt  }
0x60: {  	_ =	shalt  }
0x61: {  	_ =	shalt  }
0x62: {  	_ =	shalt  }
0x63: {  	_ =	shalt  }
0x64: {  	_ =	shalt  }
0x65: {  	_ =	shalt  }
0x66: {  	_ =	shalt  }
0x67: {  	_ =	shalt  }
0x68: {  	_ =	shalt  }
0x69: {  	_ =	shalt  }
0x6a: {  	_ =	shalt  }
0x6b: {  	_ =	shalt  }
0x6c: {  	_ =	shalt  }
0x6d: {  	_ =	shalt  }
0x6e: {  	_ =	shalt  }
0x6f: {  	_ =	shalt  }
0x70: {  	_ =	shalt  }
0x71: {  	_ =	shalt  }
0x72: {  	_ =	shalt  }
0x73: {  	_ =	shalt  }
0x74: {  	_ =	shalt  }
0x75: {  	_ =	shalt  }
0x76: {  	_ =	shalt  }
0x77: {  	_ =	shalt  }
0x78: {  	_ =	shalt  }
0x79: {  	_ =	shalt  }
0x7a: {  	_ =	shalt  }
0x7b: {  	_ =	shalt  }
0x7c: {  	_ =	shalt  }
0x7d: {  	_ =	shalt  }
0x7e: {  	_ =	shalt  }
0x7f: {  	_ =	shalt  }
0x80: {  	_ =	shalt  }
0x81: {  	_ =	shalt  }
0x82: {  	_ =	shalt  }
0x83: {  	_ =	shalt  }
0x84: {  	_ =	shalt  }
0x85: {  	_ =	shalt  }
0x86: {  	_ =	shalt  }
0x87: {  	_ =	shalt  }
.Lfunc_end0:
.L_simem_size_0:
called_computation.1_lowered:
.L_overlay_start_0:
0x88: {  	s2 =	sld [smem:$0x3FD9]  }
0x89: {  	s3 =	sld [smem:$0x3FFE];
	_ =	sdelay $0x1  }
0x8a: {  	s1 =	srdreg.scid  }
0x8b: {  	s0 =	sand.u32 $0x1, s1  }
0x8c: {  	s17 =	sshll.u32 s0, $0xA;
	s2 =	sadd.s32 s3, s2  }
0x8d: {  	s2 =	sadd.s32 s2, s17  }
0x8e: {  	[smem:$0x3FC7] =	sst s2  }
0x8f: {  	_ = 	snop  }
0x90: {  	s2 =	sld [smem:$0x3FD0];
	(tm) =	ssettm $0x1  }
0x91: {  	s18 =	sld [smem:$0x3FFB];
	_ =	sdelay $0x3  }
0x92: {  	_ =	strace s18  }
0x93: {  	s3 =	sld [smem:$0x3FFC];
	_ =	sdelay $0x3  }
0x94: {  	_ =	strace s3  }
0x95: {  	s3 =	sld [smem:$0x3FFD];
	_ =	sdelay $0x3  }
0x96: {  	_ =	strace s3  }
0x97: {  	_ =	strace $0x8FFFFFFF  }
0x98: {  	s19 =	sld [smem:$0x3FDB];
	_ =	sdelay $0x1  }
0x99: {  	s4 =	simm.s32 $_scs_section_size  }
0x9a: {  	s5 =	simm.s32 $_size__tile_overlayer_lowered;
	s6 =	simm.s32 $_tile_overlayer_lowered  }
0x9b: {  	s22 =	simm.s32 $0x1BFF;
	s21 =	sshll.u32 s6, $0x1;
	s3 =	sadd.s32 s4, s19  }
0x9c: {  	s7 =	simm.s32 $0x0;
	s20 =	sshll.u32 s5, $0x1;
	s5 =	sadd.s32 s21, s3  }
0x9d: {  	[timem:s7], [sflag:s22] =	dma.local [hbm:s5], s20  }
0x9e: {  	_ =	swait.ge [sflag:s22], s20  }
0x9f: {  	s4 =	ssub.s32 $0x0, s20;
	[sflag:s22] =	ssyncset.done $0x0  }
0xa0: {  	[sflag:s22] =	ssyncadd.s32 s4;
	_ =	sdelay $0x1  }
0xa1: {  	s23 =	simm.s32 $0x1B8B  }
0xa2: {  	_ =	swait.ge [sflag:s23], $0x1  }
0xa3: {  	[sflag:s23] =	ssyncset.done $0x0  }
0xa4: {  	s25 =	simm.s32 $0x1B8E;
	s24 =	sld [smem:$0x3FFE];
	[sflag:s23] =	ssyncadd.s32 $0xFFFFFFFF  }
0xa5: {  	s26 =	simm.s32 $execute0_lowered;
	[smem:$0x3FD2] =	sst s25  }
0xa6: {  	s5 =	sshll.u32 s26, $0x1;
	_ =	strace $0x80000046;
	[dreg:$0x1] =	wrdreg $0xFFFFFFFF  }
0xa7: {  	s28 =	simm.s32 $_size_execute0_lowered;
	s3 =	sadd.s32 s3, s5;
	[dreg:$0x0] =	wrdreg $0x0  }
0xa8: {  	s5 =	sshll.u32 s28, $0x1;
	[dreg:$0x2] =	wrdreg s3  }
0xa9: {  	[dreg:$0x3] =	wrdreg s5  }
0xaa: {  	[dreg:$0x4] =	wrdreg $0xC0  }
0xab: {  	_ =	task [dreg:s7], $0x5FFFF  }
0xac: {  	[dreg:$0x1] =	wrdreg $0xFFFFFFFF  }
0xad: {  	[dreg:$0x0] =	wrdreg $0x60  }
0xae: {  	[dreg:$0x2] =	wrdreg s24  }
0xaf: {  	[dreg:$0x3] =	wrdreg s2  }
0xb0: {  	[dreg:$0x4] =	wrdreg $0x9  }
0xb1: {  	_ =	task.clear_ibuf [dreg:s7], $0x5FFFF;
	_ =	strace $0x90000046  }
0xb2: {  	s29 =	simm.s32 $0x9;
	_ =	strace $0x80000048  }
0xb3: {  	_ =	swait.ge [sflag:s29], $0x1  }
0xb4: {  	[sflag:s29] =	ssyncadd.s32 $0xFFFFFFFF  }
0xb5: {  	_ =	strace $0x90000048  }
0xb6: {  	_ =	sfence  }
0xb7: {  	s30 =	sld [smem:$0x0];
	_ =	sdelay $0x2  }
0xb8: {  	s31 =	sshll.u32 s1, $0xD;
	s1 =	sshrl.u32 s1, $0x2  }
0xb9: {  	s3 =	sand.u32 $0x4000, s31;
	s1 =	sadd.s32 s1, s30  }
0xba: {  	s0 =	sor.u32 s3, s0;
	s1 =	sshll.u32 s1, $0x11  }
0xbb: {  	s0 =	sor.u32 s1, s0  }
0xbc: {  	s0 =	sadd.s32 $0x8F2B, s0  }
0xbd: {  	[sflag:s0] =	ssyncadd.remote.s32 $0x1  }
0xbe: {  	_ =	sfence.sel $0xFFFF  }
0xbf: {  	[dreg:$0x0] =	wrdreg $0xFFFFFFFF;
	(pc) =	sbr.abs _section_cstart, $3  }
0xc0: {  	[dreg:$0x1] =	wrdreg $0xFFFFFFFF  }
0xc1: {  	_ =	task.clear_ibuf [dreg:s7], $0x2FFFF;
	_ =	strace $0x9FFFFFFF  }
0xc2: {  	(tm) =	ssettm $0x7FFFFFFF  }
0xc3: {  	_ =	shalt  }
tec
execute0_lowered:
.L_overlay_start_1:
0x0: {  	(tag) =	ssettag $0x1  }
0x1: {  	s2 =	rddreg [dreg:$0x0]  }
0x2: {  	s0 =	stileid.u32;
	s1 =	srdreg.scid  }
0x3: {  	s3 =	rddreg [dreg:$0x1];
	s8 =	simm.s32 $0x1;
	s9 =	simm.s32 $0x3  }
0x4: {  	s10 =	simm.s32 $0x0;
	s4 =	sand.u32 $0x1, s1;
	s5 =	sshll.u32 s0, $0x1  }
0x5: {  	s13 =	simm.s32 $0x0;
	s12 =	simm.s32 $0x0;
	s6 =	sor.u32 s5, s4  }
0x6: {  	s1 =	rddreg [dreg:$0x2];
	_ =	strace $0x80000047;
	s4 =	smul.u32 $0x50, s6  }
0x7: {  	s5 =	simm.s32 $0x1;
	p0 =	slt.u32 s6, $0x13;
	s6 =	simm.s32 $0xA00  }
.Ltmp0:
0x8: {  	s6 =	simm.s32 @!p0 $0x0;
	s7 =	ssub.s32 $0xFA0, s4;
	(pc) =	sbr.rel .LBB2_1-.Ltmp0, $4  }
0x9: {  	s8 =	simm.s32 @!p0 $0x0;
	p0 =	sne.s32 s7, s6;
	s7 =	simm.s32 $0x1  }
0xa: {  	[sflag:s5] =	ssyncpa.u1 $0x0;
	s6 =	simm.s32 $0x2;
	s7 =	simm.s32 @!p0 $0x0  }
0xb: {  	s11 =	smov.u32 s4;
	[sflag:s6] =	ssyncpa.u1 $0x0;
	s7 =	sadd.s32 s8, s7  }
0xc: {  	vm0 =	vmmov $0xffff;
	s8 =	sadd.s32 $0x2800, s2;
	[sflag:s9] =	ssyncpa.u1 $0x0;
	s9 =	sadd.s32 $0x1, s7  }
.LBB2_4:
0xd: {  	vm1 =	veq.s32 v4, $0x80000000;
	v56 =	vand.u32 $0x3, v4;
	v6 =	vand.u32 $0x7FFF, v6  }
0xe: {  	v2 =	vor.u32 v2, v5;
	v59 =	vshrl.u32 v1, $0x2;
	v60 =	vand.u32 $0x3, v1  }
0xf: {  	v4 =	vsel vm1, $0xFFFFFFFF, v56;
	v6 =	vsel vm1, $0xFFFFFFFF, v6;
	v2 =	vor.u32 v3, v2  }
0x10: {  	vm1 =	veq.s32 v1, $0x80000000;
	v5 =	vand.u32 $0x7FFF, v59;
	v7 =	vshrl.u32 v4, $0x2  }
0x11: {  	v57 =	vshll.u32 v6, $0x2;
	v4 =	vshll.u32 v4, $0x7;
	v1 =	vsel vm1, $0xFFFFFFFF, v60  }
0x12: {  	v5 =	vsel vm1, $0xFFFFFFFF, v5;
	v6 =	vand.u32 $0x7F, v6;
	v7 =	vmul.u32 $0x13A00, v7  }
0x13: {  	v58 =	vand.u32 $0xFFFFFE00, v57;
	v4 =	vand.u32 $0x180, v4;
	v61 =	vshrl.u32 v1, $0x2  }
0x14: {  	v62 =	vshll.u32 v5, $0x2;
	v3 =	vadd.s32 v7, v58;
	v7 =	vmul.u32 $0x13A00, v61  }
0x15: {  	v1 =	vshll.u32 v1, $0x7;
	v3 =	vor.u32 v4, v3;
	v4 =	vand.u32 $0xFFFFFE00, v62  }
0x16: {  	v1 =	vand.u32 $0x180, v1;
	v3 =	vor.u32 v6, v3;
	v4 =	vadd.s32 v7, v4  }
0x17: {  	[tilespmem:s16], [sflag:$0x1] =	stream.indirect_vreg.gather [hbm4b:s2+s10], $0x1, v0, vm0, $0x4038;
	v63 =	vand.u32 $0x7F, v5;
	v1 =	vor.u32 v1, v4;
	[tilespmem:$0x140] =	vst v63  }
0x18: {  	s15 =	sadd.s32 $0x10, s15;
	(ifvalue) =	ssetifvalue $0x7FFFFFFF;
	v0 =	vor.u32 v63, v1  }
0x19: {  	[tilespmem:s15], [sflag:$0x1] =	stream.indirect_vreg.gather [hbm4b:s2+s10], $0x1, v2, vm0, $0x4038;
	[tilespmem:$0x140] =	vst v63  }
0x1a: {  	s15 =	sadd.s32 $0x10, s15;
	(ifvalue) =	ssetifvalue $0x7FFFFFFF  }
0x1b: {  	[tilespmem:s15], [sflag:$0x1] =	stream.indirect_vreg.gather [hbm4b:s2+s10], $0x1, v3, vm0, $0x4038;
	[tilespmem:$0x140] =	vst v63  }
0x1c: {  	s15 =	sadd.s32 $0x10, s15;
	(ifvalue) =	ssetifvalue $0x7FFFFFFF  }
0x1d: {  	[tilespmem:s15], [sflag:$0x1] =	stream.indirect_vreg.gather [hbm4b:s2+s10], $0x1, v0, vm0, $0x4038;
	[tilespmem:$0x140] =	vst v63  }
0x1e: {  	_ =	swait.ge [sflag:s5], $0x50  }
0x1f: {  	s30 =	sshrl.u32 s13, $0x3;
	[sflag:s5] =	ssyncset.done $0x0  }
0x20: {  	s31 =	sand.u32 $0x7, s13;
	s15 =	sadd.s32 s8, s30;
	[sflag:s5] =	ssyncadd.s32 $0xFFFFFFB0  }
0x21: {  	[hbm4b:s15+s31] =	stream.linear.scatter [tilespmem:s14], [sflag:$0x3], $0x50, $0x38;
	[tilespmem:$0x140] =	vst v63  }
.LBB2_5:
0x22: {  	s15 =	sadd.s32 $0xA00, s11  }
0x23: {  	p1 =	sgt.s32 s15, $0xF9F  }
0x24: {  	s15 =	smov.u32 @p1 s4;
	p1 =	sne.s32 s12, s9  }
.Ltmp1:
0x25: {  	p0 =	slt.u32 s12, $0x2;
	(pc) =	sbr.rel @!p1 .LBB2_6-.Ltmp1, $4  }
0x26: {  	s14 =	simm.s32 @!p0 $0x3  }
0x27: {  	_ =	swait.ge @!p0 [sflag:s14], $0x50  }
0x28: {  	s16 =	sadd.s32 $0x1, s12;
	s13 =	smov.u32 s11;
	[sflag:s14] =	ssyncset.done @!p0 $0x0  }
0x29: {  	s12 =	smov.u32 s16;
	s11 =	smov.u32 s15;
	[sflag:s14] =	ssyncadd.s32 @!p0 $0xFFFFFFB0  }
.LBB2_1:
0x2a: {  	p0 =	sge.u32 s12, s7  }
0x2b: {  	s14 =	sxor.u32 @!p0 $0x1, s12  }
0x2c: {  	s14 =	smul.u32 @!p0 $0x140, s14  }
0x2d: {  	s31 =	sadd.s32 $0xFFFFFFFF, s12;
	s15 =	sshrl.u32 @!p0 s11, $0x3  }
0x2e: {  	s16 =	sand.u32 @!p0 $0x7, s11;
	s15 =	sadd.s32 @!p0 s3, s15;
	s14 =	sshra.s32 @!p0 s14, $0x2  }
0x2f: {  	[tilespmem:s14], [sflag:$0x2] =	stream.linear.gather @!p0 [hbm4b:s15+s16], $0x50, $0x38;
	[tilespmem:$0x140] =	vst v63  }
0x30: {  	p0 =	sge.u32 s31, s7  }
.Ltmp2:
0x31: {  	_ = 	snop;
	(pc) =	sbr.rel @p0 .LBB2_5-.Ltmp2, $1  }
0x32: {  	_ =	sdelay $0x3  }
0x33: {  	s14 =	sand.u32 $0x1, s12  }
0x34: {  	_ =	swait.ge [sflag:s6], $0x50;
	p0 =	seq.s32 s14, $0x1;
	s14 =	simm.s32 $0x50  }
0x35: {  	[sflag:s6] =	ssyncset.done $0x0;
	s14 =	simm.s32 @!p0 $0x0  }
0x36: {  	[sflag:s6] =	ssyncadd.s32 $0xFFFFFFB0;
	(ifvalue) =	ssetifvalue $0x7FFFFFFF;
	v0 =	vld.msk [tilespmem:s14+$0x0 ss:$0x1], $0xffff  }
0x37: {  	s15 =	sadd.s32 $0x10, s14  }
0x38: {  	v1 =	vld.msk [tilespmem:s15+$0x0 ss:$0x1], $0xffff;
	_ =	sdelay $0x2  }
0x39: {  	v2 =	vshrl.u32 v0, $0x2  }
0x3a: {  	vm1 =	veq.s32 v0, $0x80000000;
	v0 =	vand.u32 $0x3, v0;
	v2 =	vand.u32 $0x7FFF, v2  }
0x3b: {  	v0 =	vsel vm1, $0xFFFFFFFF, v0;
	v6 =	vshrl.u32 v1, $0x2;
	v2 =	vsel vm1, $0xFFFFFFFF, v2  }
0x3c: {  	v3 =	vshrl.u32 v0, $0x2;
	v0 =	vshll.u32 v0, $0x7;
	vm1 =	veq.s32 v1, $0x80000000  }
0x3d: {  	s15 =	sadd.s32 $0x10, s15;
	v1 =	vand.u32 $0x3, v1;
	v4 =	vshll.u32 v2, $0x2;
	v3 =	vmul.u32 $0x13A00, v3  }
0x3e: {  	v0 =	vand.u32 $0x180, v0;
	v7 =	vand.u32 $0x7F, v2;
	v5 =	vand.u32 $0xFFFFFE00, v4;
	v4 =	vld.msk [tilespmem:s15+$0x0 ss:$0x1], $0xffff  }
0x3f: {  	v1 =	vsel vm1, $0xFFFFFFFF, v1;
	v2 =	vadd.s32 v3, v5;
	v3 =	vand.u32 $0x7FFF, v6  }
0x40: {  	v3 =	vsel vm1, $0xFFFFFFFF, v3;
	v0 =	vor.u32 v0, v2;
	v2 =	vshrl.u32 v1, $0x2  }
0x41: {  	v1 =	vshll.u32 v1, $0x7;
	v5 =	vshll.u32 v3, $0x2;
	v8 =	vmul.u32 $0x13A00, v2  }
0x42: {  	s18 =	simm.s32 $0x30;
	s14 =	sor.u32 $0xA0, s14;
	s17 =	sadd.s32 $0x10, s15;
	v2 =	vand.u32 $0x180, v1;
	v0 =	vor.u32 v7, v0;
	v5 =	vand.u32 $0xFFFFFE00, v5  }
0x43: {  	s16 =	smov.u32 s14;
	s15 =	smov.u32 s14;
	v1 =	vld.msk [tilespmem:s17+$0x0 ss:$0x1], $0xffff;
	v3 =	vand.u32 $0x7F, v3;
	(ifvalue) =	ssetifvalue $0x7FFFFFFF;
	v6 =	vshrl.u32 v4, $0x2;
	v5 =	vadd.s32 v8, v5  }
.LBB2_3:
0x44: {  	s18 =	sadd.s32 $0x10, s18  }
0x45: {  	vm1 =	veq.s32 v4, $0x80000000;
	v4 =	vand.u32 $0x3, v4;
	v6 =	vand.u32 $0x7FFF, v6;
	s15 =	sadd.s32 $0x10, s15;
	p0 =	slt.u32 s18, $0x40  }
.Ltmp3:
0x46: {  	v5 =	vor.u32 v2, v5;
	v4 =	vsel vm1, $0xFFFFFFFF, v4;
	v7 =	vsel vm1, $0xFFFFFFFF, v6;
	(pc) =	sbr.rel @p0 .LBB2_3-.Ltmp3, $4  }
0x47: {  	v2 =	vshrl.u32 v4, $0x2;
	v6 =	vshll.u32 v7, $0x2;
	v4 =	vshll.u32 v4, $0x7;
	[tilespmem:s16], [sflag:$0x1] =	stream.indirect_vreg.gather [hbm4b:s2+s10], $0x1, v0, vm0, $0x4038;
	[tilespmem:$0x140] =	vst v63  }
0x48: {  	v0 =	vor.u32 v3, v5;
	s16 =	smov.u32 s15;
	v8 =	vmul.u32 $0x13A00, v2;
	v2 =	vand.u32 $0x180, v4  }
0x49: {  	s17 =	sadd.s32 $0x10, s17;
	v9 =	vand.u32 $0xFFFFFE00, v6  }
0x4a: {  	v3 =	vand.u32 $0x7F, v7;
	v6 =	vshrl.u32 v1, $0x2;
	v5 =	vadd.s32 v8, v9;
	(ifvalue) =	ssetifvalue $0x7FFFFFFF;
	v4 =	vmovc v1;
	v1 =	vld.msk [tilespmem:s17+$0x0 ss:$0x1], $0xffff  }
.Ltmp4:
0x4b: {  	_ = 	snop;
	(pc) =	sbr.rel .LBB2_4-.Ltmp4, $1  }
0x4c: {  	_ =	sdelay $0x3  }
.LBB2_6:
0x4d: {  	_ =	sfence.sel $0x180000  }
0x4e: {  	s2 =	simm.s32 $0x2;
	[bflag:$0x0] =	sbarrier.arrive $0xFFFF  }
0x4f: {  	s30 =	simm.s32 $0x3;
	[sflag:s2] =	ssyncpa.u1 $0x1  }
0x50: {  	s31 =	simm.s32 $0x1;
	[sflag:s30] =	ssyncpa.u1 $0x1  }
0x51: {  	[sflag:s31] =	ssyncpa.u1 $0x1  }
0x52: {  	p0 =	sne.s32 s0, $0x0;
	_ =	strace $0x90000047  }
0x53: {  	s0 =	sadd.s32 @!p0 $0x100000, s1;
	[bflag:$0x2] =	sbarrier.arrive $0xFFFF  }
0x54: {  	[sflag:s0] =	ssyncadd.tile.s32 @!p0 $0x1;
	_ =	shalt  }
.Lfunc_end2:
_tile_overlayer_lowered:
.L_overlay_start_2:
0x55: {  	(tag) =	ssettag $0x2  }
0x56: {  	s0 =	rddreg [dreg:$0x0];
	s2 =	stileid.u32  }
0x57: {  	s1 =	rddreg [dreg:$0x1];
	p0 =	sne.s32 s2, $0x0  }
0x58: {  	s3 =	rddreg [dreg:$0x2];
	[bflag:$0x3] =	sbarrier.arrive $0xFFFF;
	s2 =	simm.s32 @!p0 $0x1C01  }
0x59: {  	[timem:s3], [sflag:s2] =	dma.local @!p0 [hbm:s0], s1  }
0x5a: {  	s0 =	simm.s32 @!p0 $0x1  }
0x5b: {  	_ =	swait.ge @!p0 [sflag:s0], s1  }
0x5c: {  	s1 =	ssub.s32 @!p0 $0x0, s1;
	[sflag:s0] =	ssyncset.done @!p0 $0x0  }
0x5d: {  	[sflag:s0] =	ssyncadd.s32 @!p0 s1  }
0x5e: {  	[bflag:$0x3] =	sbarrier.arrive $0xFFFF  }
0x5f: {  	_ =	shalt  }

// kernel: gather_offload_async_start
scs
__scs_entry_jumppad:
0x0: {  	(pc) =	sbr.rel $0x88, $3  }
0x1: {  	(tag) =	ssettag $0x0;
	lr =	simm.s32 $0x1  }
0x2: {  	[smem:$0x3FA0] =	sst lr;
	_ =	strace $0xD0000000  }
0x3: {  	_ = 	snop  }
0x4: {  	_ = 	snop  }
0x5: {  	_ = 	snop  }
0x6: {  	_ = 	snop  }
0x7: {  	_ = 	snop  }
__scs_overlays_trampoline_lowered:
0x8: {  	[smem:$0x3FAF] =	sst s0  }
0x9: {  	[smem:$0x3FB0] =	sst s1  }
0xa: {  	[smem:$0x3FB1] =	sst s2  }
0xb: {  	[smem:$0x3FB2] =	sst s3  }
0xc: {  	[smem:$0x3FB3] =	sst s4  }
0xd: {  	[smem:$0x3FB4] =	sst s5  }
0xe: {  	[smem:$0x3FB5] =	sst s6  }
0xf: {  	[smem:$0x3FB6] =	sst s7  }
0x10: {  	[smem:$0x3FB7] =	sst s8  }
0x11: {  	[smem:$0x3FB8] =	sst s9;
	s0 =	simm.s32 @!p0 $0x0  }
0x12: {  	s1 =	sld [smem:$0x3F9E];
	s0 =	simm.s32 @p0 $0x1  }
0x13: {  	[smem:$0x3FB9] =	sst s0;
	s0 =	simm.s32 @!p1 $0x0  }
0x14: {  	s2 =	sld [smem:$0x3F9D];
	s0 =	simm.s32 @p1 $0x1  }
0x15: {  	[smem:$0x3FBA] =	sst s0;
	s0 =	simm.s32 @!p2 $0x0  }
0x16: {  	s3 =	sld [smem:$0x3FDB];
	s0 =	simm.s32 @p2 $0x1  }
0x17: {  	s4 =	simm.s32 $0x1BF5;
	[smem:$0x3FBC] =	sst s0  }
0x18: {  	s0 =	sld [smem:$0x3F9F];
	_ =	swait.ge [sflag:s4], $0x0  }
0x19: {  	s7 =	sld [smem:$0x3FA0]  }
0x1a: {  	s8 =	sadd.s32 $0xFFFFE003, lr  }
0x1b: {  	s9 =	sadd.s32 $0xFFFFFEF7, lr;
	s5 =	simm.s32 $0xFFFFFFFF;
	p2 =	slt.u32 s8, $0xFFFFF086  }
0x1c: {  	p1 =	slt.u32 s9, $0xF7A;
	s5 =	simm.s32 @!p2 $0x0  }
0x1d: {  	s5 =	simm.s32 @p1 $0x1;
	p0 =	seq.s32 s7, s2  }
0x1e: {  	s7 =	smul.u32 @!p0 $0xF7A, s2;
	p2 =	seq.s32 @!p0 s5, $0x0  }
0x1f: {  	s9 =	smul.u32 $0xF7A, s1;
	s8 =	simm.s32 @!p0 $0x1BF5;
	p2 =	por !p2, p0  }
0x20: {  	[sflag:s8] =	ssyncset.s32 @!p0 $0xFFFFF086;
	s6 =	sadd.s32 @!p0 s3, s7;
	s7 =	simm.s32 @!p0 $0x108  }
0x21: {  	s3 =	sadd.s32 s3, s9;
	s6 =	sadd.s32 @!p0 $0x88, s6;
	s7 =	simm.s32 @p2 $0x1082  }
0x22: {  	[simem:s7], [sflag:s8] =	dma.local @!p0 [hbm:s6], $0xF7A  }
0x23: {  	s9 =	sor.u32 $0xD0000000, s2;
	s6 =	simm.s32 $0x108;
	_ =	swait.ge @!p0 [sflag:s8], $0x0  }
0x24: {  	s3 =	sadd.s32 $0x88, s3;
	s6 =	simm.s32 @!p1 $0x1082;
	[sflag:s4] =	ssyncset.s32 $0xFFFFF086  }
0x25: {  	[simem:s6], [sflag:s4] =	dma.local [hbm:s3], $0xF7A  }
0x26: {  	[smem:$0x3FA0] =	sst s1;
	(tag) =	ssettag s2;
	_ =	strace s9  }
0x27: {  	s1 =	sld [smem:$0x3FB0]  }
0x28: {  	s2 =	sld [smem:$0x3FB1]  }
0x29: {  	s4 =	sld [smem:$0x3FB3]  }
0x2a: {  	p0 =	seq.s32 s5, $0x0;
	s5 =	sld [smem:$0x3FB4]  }
0x2b: {  	s6 =	sld [smem:$0x3FB5]  }
0x2c: {  	s7 =	sld [smem:$0x3FB6]  }
0x2d: {  	s3 =	simm.s32 $0x108;
	s8 =	sld [smem:$0x3FB7]  }
0x2e: {  	s3 =	simm.s32 @!p0 $0x1082;
	s9 =	sld [smem:$0x3FB8]  }
0x2f: {  	lr =	sadd.s32 s0, s3;
	s0 =	sld [smem:$0x3FAF]  }
0x30: {  	s3 =	sld [smem:$0x3FB2]  }
0x31: {  	[smem:$0x3FBB] =	sst s10  }
0x32: {  	s10 =	sld [smem:$0x3FB9];
	_ =	sdelay $0x3  }
0x33: {  	p0 =	seq.s32 s10, $0x1;
	s10 =	sld [smem:$0x3FBB];
	_ =	sdelay $0x3  }
0x34: {  	[smem:$0x3FBB] =	sst s10  }
0x35: {  	s10 =	sld [smem:$0x3FBA];
	_ =	sdelay $0x3  }
0x36: {  	p1 =	seq.s32 s10, $0x1;
	s10 =	sld [smem:$0x3FBB];
	_ =	sdelay $0x3  }
0x37: {  	[smem:$0x3FBB] =	sst s10  }
0x38: {  	s10 =	sld [smem:$0x3FBC]  }
0x39: {  	_ = 	snop;
	(pc) =	sbr.ind lr, $3  }
0x3a: {  	_ = 	snop  }
0x3b: {  	_ = 	snop  }
0x3c: {  	p2 =	seq.s32 s10, $0x1;
	s10 =	sld [smem:$0x3FBB]  }
0x3d: {  	_ =	shalt  }
0x3e: {  	_ =	shalt  }
0x3f: {  	_ =	shalt  }
0x40: {  	_ =	shalt  }
0x41: {  	_ =	shalt  }
0x42: {  	_ =	shalt  }
0x43: {  	_ =	shalt  }
0x44: {  	_ =	shalt  }
0x45: {  	_ =	shalt  }
0x46: {  	_ =	shalt  }
0x47: {  	_ =	shalt  }
0x48: {  	_ =	shalt  }
0x49: {  	_ =	shalt  }
0x4a: {  	_ =	shalt  }
0x4b: {  	_ =	shalt  }
0x4c: {  	_ =	shalt  }
0x4d: {  	_ =	shalt  }
0x4e: {  	_ =	shalt  }
0x4f: {  	_ =	shalt  }
0x50: {  	_ =	shalt  }
0x51: {  	_ =	shalt  }
0x52: {  	_ =	shalt  }
0x53: {  	_ =	shalt  }
0x54: {  	_ =	shalt  }
0x55: {  	_ =	shalt  }
0x56: {  	_ =	shalt  }
0x57: {  	_ =	shalt  }
0x58: {  	_ =	shalt  }
0x59: {  	_ =	shalt  }
0x5a: {  	_ =	shalt  }
0x5b: {  	_ =	shalt  }
0x5c: {  	_ =	shalt  }
0x5d: {  	_ =	shalt  }
0x5e: {  	_ =	shalt  }
0x5f: {  	_ =	shalt  }
0x60: {  	_ =	shalt  }
0x61: {  	_ =	shalt  }
0x62: {  	_ =	shalt  }
0x63: {  	_ =	shalt  }
0x64: {  	_ =	shalt  }
0x65: {  	_ =	shalt  }
0x66: {  	_ =	shalt  }
0x67: {  	_ =	shalt  }
0x68: {  	_ =	shalt  }
0x69: {  	_ =	shalt  }
0x6a: {  	_ =	shalt  }
0x6b: {  	_ =	shalt  }
0x6c: {  	_ =	shalt  }
0x6d: {  	_ =	shalt  }
0x6e: {  	_ =	shalt  }
0x6f: {  	_ =	shalt  }
0x70: {  	_ =	shalt  }
0x71: {  	_ =	shalt  }
0x72: {  	_ =	shalt  }
0x73: {  	_ =	shalt  }
0x74: {  	_ =	shalt  }
0x75: {  	_ =	shalt  }
0x76: {  	_ =	shalt  }
0x77: {  	_ =	shalt  }
0x78: {  	_ =	shalt  }
0x79: {  	_ =	shalt  }
0x7a: {  	_ =	shalt  }
0x7b: {  	_ =	shalt  }
0x7c: {  	_ =	shalt  }
0x7d: {  	_ =	shalt  }
0x7e: {  	_ =	shalt  }
0x7f: {  	_ =	shalt  }
0x80: {  	_ =	shalt  }
0x81: {  	_ =	shalt  }
0x82: {  	_ =	shalt  }
0x83: {  	_ =	shalt  }
0x84: {  	_ =	shalt  }
0x85: {  	_ =	shalt  }
0x86: {  	_ =	shalt  }
0x87: {  	_ =	shalt  }
.Lfunc_end0:
.L_simem_size_0:
called_computation_lowered:
.L_overlay_start_0:
0x88: {  	s2 =	sld [smem:$0x3FD9]  }
0x89: {  	s3 =	sld [smem:$0x3FFE];
	_ =	sdelay $0x1  }
0x8a: {  	s1 =	srdreg.scid  }
0x8b: {  	s0 =	sand.u32 $0x1, s1  }
0x8c: {  	s17 =	sshll.u32 s0, $0xA;
	s2 =	sadd.s32 s3, s2  }
0x8d: {  	s2 =	sadd.s32 s2, s17  }
0x8e: {  	[smem:$0x3FC7] =	sst s2  }
0x8f: {  	_ = 	snop  }
0x90: {  	s2 =	sld [smem:$0x3FD0];
	(tm) =	ssettm $0x1  }
0x91: {  	s18 =	sld [smem:$0x3FFB];
	_ =	sdelay $0x3  }
0x92: {  	_ =	strace s18  }
0x93: {  	s3 =	sld [smem:$0x3FFC];
	_ =	sdelay $0x3  }
0x94: {  	_ =	strace s3  }
0x95: {  	s3 =	sld [smem:$0x3FFD];
	_ =	sdelay $0x3  }
0x96: {  	_ =	strace s3  }
0x97: {  	_ =	strace $0x8FFFFFFF  }
0x98: {  	s19 =	sld [smem:$0x3FDB];
	_ =	sdelay $0x1  }
0x99: {  	s4 =	simm.s32 $_scs_section_size  }
0x9a: {  	s5 =	simm.s32 $_size__tile_overlayer_lowered;
	s6 =	simm.s32 $_tile_overlayer_lowered  }
0x9b: {  	s22 =	simm.s32 $0x1BFF;
	s21 =	sshll.u32 s6, $0x1;
	s3 =	sadd.s32 s4, s19  }
0x9c: {  	s7 =	simm.s32 $0x0;
	s20 =	sshll.u32 s5, $0x1;
	s5 =	sadd.s32 s21, s3  }
0x9d: {  	[timem:s7], [sflag:s22] =	dma.local [hbm:s5], s20  }
0x9e: {  	_ =	swait.ge [sflag:s22], s20  }
0x9f: {  	s4 =	ssub.s32 $0x0, s20;
	[sflag:s22] =	ssyncset.done $0x0  }
0xa0: {  	[sflag:s22] =	ssyncadd.s32 s4;
	_ =	sdelay $0x1  }
0xa1: {  	s23 =	simm.s32 $0x1B8B  }
0xa2: {  	_ =	swait.ge [sflag:s23], $0x1  }
0xa3: {  	[sflag:s23] =	ssyncset.done $0x0  }
0xa4: {  	s25 =	simm.s32 $0x1B8E;
	s24 =	sld [smem:$0x3FFE];
	[sflag:s23] =	ssyncadd.s32 $0xFFFFFFFF  }
0xa5: {  	s26 =	simm.s32 $execute0_lowered;
	[smem:$0x3FD2] =	sst s25  }
0xa6: {  	s5 =	sshll.u32 s26, $0x1;
	_ =	strace $0x80000049;
	[dreg:$0x1] =	wrdreg $0xFFFFFFFF  }
0xa7: {  	s28 =	simm.s32 $_size_execute0_lowered;
	s3 =	sadd.s32 s3, s5;
	[dreg:$0x0] =	wrdreg $0x0  }
0xa8: {  	s5 =	sshll.u32 s28, $0x1;
	[dreg:$0x2] =	wrdreg s3  }
0xa9: {  	[dreg:$0x3] =	wrdreg s5  }
0xaa: {  	[dreg:$0x4] =	wrdreg $0xC0  }
0xab: {  	_ =	task [dreg:s7], $0x5FFFF  }
0xac: {  	[dreg:$0x1] =	wrdreg $0xFFFFFFFF  }
0xad: {  	[dreg:$0x0] =	wrdreg $0x60  }
0xae: {  	[dreg:$0x2] =	wrdreg s24  }
0xaf: {  	[dreg:$0x3] =	wrdreg s2  }
0xb0: {  	[dreg:$0x4] =	wrdreg $0x9  }
0xb1: {  	_ =	task.clear_ibuf [dreg:s7], $0x5FFFF;
	_ =	strace $0x90000049  }
0xb2: {  	s29 =	simm.s32 $0x9;
	_ =	strace $0x8000004B  }
0xb3: {  	_ =	swait.ge [sflag:s29], $0x1  }
0xb4: {  	[sflag:s29] =	ssyncadd.s32 $0xFFFFFFFF  }
0xb5: {  	_ =	strace $0x9000004B  }
0xb6: {  	_ =	sfence  }
0xb7: {  	s30 =	sld [smem:$0x0];
	_ =	sdelay $0x2  }
0xb8: {  	s31 =	sshll.u32 s1, $0xD;
	s1 =	sshrl.u32 s1, $0x2  }
0xb9: {  	s3 =	sand.u32 $0x4000, s31;
	s1 =	sadd.s32 s1, s30  }
0xba: {  	s0 =	sor.u32 s3, s0;
	s1 =	sshll.u32 s1, $0x11  }
0xbb: {  	s0 =	sor.u32 s1, s0  }
0xbc: {  	s0 =	sadd.s32 $0x8F2B, s0  }
0xbd: {  	[sflag:s0] =	ssyncadd.remote.s32 $0x1  }
0xbe: {  	_ =	sfence.sel $0xFFFF  }
0xbf: {  	[dreg:$0x0] =	wrdreg $0xFFFFFFFF;
	(pc) =	sbr.abs _section_cstart, $3  }
0xc0: {  	[dreg:$0x1] =	wrdreg $0xFFFFFFFF  }
0xc1: {  	_ =	task.clear_ibuf [dreg:s7], $0x2FFFF;
	_ =	strace $0x9FFFFFFF  }
0xc2: {  	(tm) =	ssettm $0x7FFFFFFF  }
0xc3: {  	_ =	shalt  }
tec
execute0_lowered:
.L_overlay_start_1:
0x0: {  	(tag) =	ssettag $0x1  }
0x1: {  	s0 =	srdreg.scid  }
0x2: {  	s1 =	sshll.u32 s0, $0x4  }
0x3: {  	s0 =	stileid.u32;
	s1 =	sand.u32 $0x10, s1  }
0x4: {  	s2 =	sor.u32 s0, s1  }
0x5: {  	s1 =	smin.u32 s2, $0x12  }
0x6: {  	s1 =	sadd.s32 s2, s1  }
0x7: {  	p0 =	slt.u32 s2, $0x12;
	s2 =	simm.s32 $0xA0;
	s1 =	smul.u32 $0x50, s1  }
0x8: {  	s2 =	simm.s32 @!p0 $0x50  }
0x9: {  	s2 =	sadd.s32 s2, s1  }
0xa: {  	s3 =	smin.u32 s2, $0xFA0  }
0xb: {  	s7 =	ssub.s32 s3, s1  }
0xc: {  	p0 =	sgt.s32 s7, $0x0  }
0xd: {  	s7 =	simm.s32 @!p0 $0x0  }
0xe: {  	s4 =	rddreg [dreg:$0x0];
	s31 =	smul.u32 $0xCCCD, s7  }
0xf: {  	s5 =	rddreg [dreg:$0x1]  }
0x10: {  	s6 =	simm.s32 $0x1;
	s10 =	simm.s32 $0x3;
	s8 =	sshrl.u32 s31, $0x16  }
0x11: {  	s13 =	simm.s32 $0x0;
	s12 =	simm.s32 $0x0;
	s9 =	smul.u32 $0x50, s8  }
.Ltmp0:
0x12: {  	s11 =	smov.u32 s1;
	s2 =	rddreg [dreg:$0x2];
	(pc) =	sbr.rel .LBB2_1-.Ltmp0, $4  }
0x13: {  	_ =	strace $0x8000004A;
	p0 =	sne.s32 s7, s9;
	s9 =	simm.s32 $0x1  }
0x14: {  	[sflag:s6] =	ssyncpa.u1 $0x0;
	s7 =	simm.s32 $0x2;
	s9 =	simm.s32 @!p0 $0x0  }
0x15: {  	[sflag:s7] =	ssyncpa.u1 $0x0;
	p0 =	por $0x0, $0x0;
	s8 =	sadd.s32 s8, s9  }
0x16: {  	vm0 =	vmmov $0xff;
	vm1 =	vcmask $0x3F20;
	s9 =	sadd.s32 $0x3A9800, s4;
	[sflag:s10] =	ssyncpa.u1 $0x0;
	s10 =	sadd.s32 $0x1, s8  }
.LBB2_6:
0x17: {  	[hbm:s17] =	stream.linear.scatter [tilespmem:s14], [sflag:$0x3], $0x400, $0x38;
	[tilespmem:$0x50A0] =	vst v63  }
.LBB2_7:
0x18: {  	s13 =	sadd.s32 $0x50, s11  }
0x19: {  	s15 =	smov.u32 s1;
	p2 =	slt.s32 s13, s3  }
0x1a: {  	s15 =	smov.u32 @p2 s13;
	p2 =	sne.s32 s12, s10  }
.Ltmp1:
0x1b: {  	p1 =	slt.u32 s12, $0x2;
	(pc) =	sbr.rel @!p2 .LBB2_8-.Ltmp1, $4  }
0x1c: {  	s14 =	simm.s32 @!p1 $0x3  }
0x1d: {  	s16 =	sadd.s32 $0x1, s12;
	_ =	swait.ge @!p1 [sflag:s14], $0x2800  }
0x1e: {  	p0 =	por !p0, !p0;
	s13 =	smov.u32 s11;
	[sflag:s14] =	ssyncset.done @!p1 $0x0  }
0x1f: {  	s12 =	smov.u32 s16;
	s11 =	smov.u32 s15;
	[sflag:s14] =	ssyncadd.s32 @!p1 $0xFFFFD800  }
.LBB2_1:
0x20: {  	p1 =	sge.u32 s12, s8  }
0x21: {  	s14 =	sxor.u32 @!p1 $0xFFFFFFFF, s12  }
0x22: {  	s14 =	sand.u32 @!p1 $0x1, s14  }
0x23: {  	s14 =	smul.u32 @!p1 $0x140, s14  }
0x24: {  	s31 =	sadd.s32 $0xFFFFFFFF, s12;
	s15 =	sshrl.u32 @!p1 s11, $0x3  }
0x25: {  	s16 =	sand.u32 @!p1 $0x7, s11;
	s15 =	sadd.s32 @!p1 s5, s15;
	s14 =	sshrl.u32 @!p1 s14, $0x2  }
0x26: {  	[tilespmem:s14], [sflag:$0x2] =	stream.linear.gather @!p1 [hbm4b:s15+s16], $0x50, $0x38;
	[tilespmem:$0x50A0] =	vst v63  }
0x27: {  	p1 =	sge.u32 s31, s8  }
.Ltmp2:
0x28: {  	_ = 	snop;
	(pc) =	sbr.rel @p1 .LBB2_7-.Ltmp2, $1  }
0x29: {  	_ =	sdelay $0x3  }
0x2a: {  	s14 =	simm.s32 $0x1  }
0x2b: {  	s14 =	simm.s32 @!p0 $0x0  }
0x2c: {  	s15 =	smul.u32 $0x140, s14  }
0x2d: {  	_ =	swait.ge [sflag:s7], $0x50  }
0x2e: {  	[sflag:s7] =	ssyncset.done $0x0;
	s16 =	sshrl.u32 s15, $0x2  }
0x2f: {  	[sflag:s7] =	ssyncadd.s32 $0xFFFFFFB0;
	s15 =	sadd.s32 $0x0, s16  }
0x30: {  	v0 =	vld.msk [tilespmem:s15+$0x0 ss:$0x1], $0xffff;
	_ =	sdelay $0x4  }
0x31: {  	v1 =	vand.u32 $0x3, v0;
	v2 =	vshll.u32 v0, $0x5  }
0x32: {  	vm2 =	veq.s32 v0, $0x80000000;
	v0 =	vmul.u32 $0x271000, v1;
	v1 =	vand.u32 $0x3FFF80, v2  }
0x33: {  	v1 =	vsel vm2, $0xFFFFFF80, v1  }
0x34: {  	v0 =	vsel vm2, $0xFFD8F000, v0;
	v2 =	vand.u32 $0xFFFFFC00, v1  }
0x35: {  	v1 =	vand.u32 $0x380, v1;
	v0 =	vadd.s32 v0, v2  }
0x36: {  	v0 =	vor.u32 v1, v0  }
0x37: {  	v0 =	vshrl.u32 v0, $0x3  }
0x38: {  	s14 =	smul.u32 $0xA000, s14;
	_ =	sdelay $0x1  }
0x39: {  	s14 =	sshrl.u32 s14, $0x2  }
0x3a: {  	s14 =	sor.u32 $0xA0, s14  }
0x3b: {  	[tilespmem:s14], [sflag:$0x1] =	stream.indirect_vreg.gather [hbm:s9], $0x80, v0, vm0, $0x38;
	[tilespmem:$0x50A0] =	vst v63  }
0x3c: {  	s17 =	sadd.s32 $0x10, s16;
	s15 =	sadd.s32 $0x400, s14  }
0x3d: {  	[tilespmem:s15], [sflag:$0x1] =	stream.indirect_vreg.gather [hbm:s9], $0x80, v0, vm1, $0x38;
	[tilespmem:$0x50A0] =	vst v63  }
0x3e: {  	s18 =	simm.s32 $0x80;
	v0 =	vld.msk [tilespmem:s17+$0x0 ss:$0x1], $0xffff;
	s17 =	smov.u32 s14  }
.LBB2_3:
0x3f: {  	p1 =	sne.s32 s18, $0x100;
	_ =	sdelay $0x4  }
0x40: {  	v1 =	vand.u32 $0x3, v0;
	v2 =	vshll.u32 v0, $0x5  }
0x41: {  	vm2 =	veq.s32 v0, $0x80000000;
	v0 =	vmul.u32 $0x271000, v1;
	v1 =	vand.u32 $0x3FFF80, v2  }
0x42: {  	v1 =	vsel vm2, $0xFFFFFF80, v1  }
0x43: {  	v0 =	vsel vm2, $0xFFD8F000, v0;
	v2 =	vand.u32 $0xFFFFFC00, v1  }
0x44: {  	v1 =	vand.u32 $0x380, v1;
	v0 =	vadd.s32 v0, v2  }
0x45: {  	v0 =	vor.u32 v1, v0  }
0x46: {  	v0 =	vshrl.u32 v0, $0x3;
	_ =	sdelay $0x3  }
.Ltmp3:
0x47: {  	s19 =	sshra.s32 s18, $0x2;
	s17 =	sadd.s32 $0x800, s17;
	(pc) =	sbr.rel @p1 .LBB2_3-.Ltmp3, $4  }
0x48: {  	[tilespmem:s17], [sflag:$0x1] =	stream.indirect_vreg.gather [hbm:s9], $0x80, v0, vm0, $0x38;
	[tilespmem:$0x50A0] =	vst v63  }
0x49: {  	s19 =	sadd.s32 s19, s16;
	s20 =	sadd.s32 $0x400, s17  }
0x4a: {  	[tilespmem:s20], [sflag:$0x1] =	stream.indirect_vreg.gather [hbm:s9], $0x80, v0, vm1, $0x38;
	[tilespmem:$0x50A0] =	vst v63  }
0x4b: {  	s18 =	sadd.s32 $0x40, s18;
	v0 =	vld.msk [tilespmem:s19+$0x0 ss:$0x1], $0xffff  }
0x4c: {  	_ =	sdelay $0x3  }
0x4d: {  	v1 =	vand.u32 $0x3, v0;
	v2 =	vshll.u32 v0, $0x5  }
0x4e: {  	vm2 =	veq.s32 v0, $0x80000000;
	v61 =	vmul.u32 $0x271000, v1;
	v62 =	vand.u32 $0x3FFF80, v2  }
0x4f: {  	v1 =	vsel vm2, $0xFFFFFF80, v62  }
0x50: {  	v0 =	vsel vm2, $0xFFD8F000, v61;
	v63 =	vand.u32 $0xFFFFFC00, v1  }
0x51: {  	v1 =	vand.u32 $0x380, v1;
	v0 =	vadd.s32 v0, v63  }
0x52: {  	v0 =	vor.u32 v1, v0  }
0x53: {  	v0 =	vshrl.u32 v0, $0x3;
	_ =	sdelay $0x3  }
0x54: {  	s16 =	sadd.s32 $0x800, s17  }
0x55: {  	[tilespmem:s16], [sflag:$0x1] =	stream.indirect_vreg.gather [hbm:s9], $0x80, v0, vm0, $0x38;
	[tilespmem:$0x50A0] =	vst v63  }
0x56: {  	s16 =	sadd.s32 $0x400, s16  }
0x57: {  	[tilespmem:s16], [sflag:$0x1] =	stream.indirect_vreg.gather [hbm:s9], $0x80, v0, vm1, $0x38;
	[tilespmem:$0x50A0] =	vst v63  }
0x58: {  	s13 =	sshll.u32 s13, $0x4;
	_ =	swait.ge [sflag:s6], $0x2800  }
0x59: {  	s13 =	sadd.s32 s13, s4;
	[sflag:s6] =	ssyncset.done $0x0  }
0x5a: {  	s17 =	sadd.s32 $0x0, s13;
	s16 =	simm.s32 $0x80;
	[sflag:s6] =	ssyncadd.s32 $0xFFFFD800  }
.LBB2_5:
0x5b: {  	[hbm:s17] =	stream.linear.scatter [tilespmem:s14], [sflag:$0x3], $0x400, $0x38;
	[tilespmem:$0x50A0] =	vst v63  }
0x5c: {  	s17 =	smov.u32 s16;
	s14 =	smov.u32 s15;
	p1 =	sne.s32 s16, $0x480  }
.Ltmp4:
0x5d: {  	s16 =	sadd.s32 $0x80, s16;
	(pc) =	sbr.rel @p1 .LBB2_5-.Ltmp4, $2  }
0x5e: {  	_ =	sdelay $0x2  }
0x5f: {  	s15 =	sadd.s32 $0x400, s15;
	s17 =	sadd.s32 s17, s13  }
.Ltmp5:
0x60: {  	_ = 	snop;
	(pc) =	sbr.rel .LBB2_6-.Ltmp5, $1  }
0x61: {  	_ =	sdelay $0x3  }
.LBB2_8:
0x62: {  	_ =	sfence.sel $0x180000  }
0x63: {  	s1 =	simm.s32 $0x2;
	[bflag:$0x0] =	sbarrier.arrive $0xFFFF  }
0x64: {  	s30 =	simm.s32 $0x3;
	[sflag:s1] =	ssyncpa.u1 $0x1  }
0x65: {  	s31 =	simm.s32 $0x1;
	[sflag:s30] =	ssyncpa.u1 $0x1  }
0x66: {  	[sflag:s31] =	ssyncpa.u1 $0x1  }
0x67: {  	p0 =	sne.s32 s0, $0x0;
	_ =	strace $0x9000004A  }
0x68: {  	s0 =	sadd.s32 @!p0 $0x100000, s2;
	[bflag:$0x2] =	sbarrier.arrive $0xFFFF  }
0x69: {  	[sflag:s0] =	ssyncadd.tile.s32 @!p0 $0x1;
	_ =	shalt  }
.Lfunc_end2:
_tile_overlayer_lowered:
.L_overlay_start_2:
0x6a: {  	(tag) =	ssettag $0x2  }
0x6b: {  	s0 =	rddreg [dreg:$0x0];
	s2 =	stileid.u32  }
0x6c: {  	s1 =	rddreg [dreg:$0x1];
	p0 =	sne.s32 s2, $0x0  }
0x6d: {  	s3 =	rddreg [dreg:$0x2];
	[bflag:$0x3] =	sbarrier.arrive $0xFFFF;
	s2 =	simm.s32 @!p0 $0x1C01  }
0x6e: {  	[timem:s3], [sflag:s2] =	dma.local @!p0 [hbm:s0], s1  }
0x6f: {  	s0 =	simm.s32 @!p0 $0x1  }
0x70: {  	_ =	swait.ge @!p0 [sflag:s0], s1  }
0x71: {  	s1 =	ssub.s32 @!p0 $0x0, s1;
	[sflag:s0] =	ssyncset.done @!p0 $0x0  }
0x72: {  	[sflag:s0] =	ssyncadd.s32 @!p0 s1  }
0x73: {  	[bflag:$0x3] =	sbarrier.arrive $0xFFFF  }
0x74: {  	_ =	shalt  }

</sc_bundles>
